<compile_context>
chip_gen: v7x
topology: tpu7x:2x2x1
jax: 0.10.2.dev20260603
libtpu: 0.0.44.dev20260713+nightly
codegen_flags: <defaults>
</compile_context>

<pallas_src>
import functools
import math

import jax
import jax.numpy as jnp
from jax import lax
from jax.experimental import pallas as pl
from jax.experimental.pallas import tpu as pltpu
from jax.experimental.pallas import tpu_sc as plsc

D_MODEL = 64
SCALE = math.sqrt(D_MODEL)
GATHER_W = 128
NBUF = 2
VREGS_PER_ROW = D_MODEL // 16


@functools.lru_cache(maxsize=None)
def _make_kernel(NB, SEQ):
    info = plsc.get_sparse_core_info()
    NC, NS = info.num_cores, info.num_subcores
    NW = NC * NS
    nb_per_w = NB // NW
    b_per_w = nb_per_w * SEQ
    pieces = []
    off = 0
    while off < SEQ:
        w = min(GATHER_W, SEQ - off)
        pieces.append((off, w))
        off += w
    assert nb_per_w * NW == NB and SEQ % 8 == 0
    assert nb_per_w % NBUF == 0
    ngroups = nb_per_w // NBUF

    mesh = plsc.VectorSubcoreMesh(core_axis_name="c", subcore_axis_name="s")

    @functools.partial(
        pl.kernel,
        out_type=jax.ShapeDtypeStruct((NB, SEQ, D_MODEL), jnp.float32),
        mesh=mesh,
        compiler_params=pltpu.CompilerParams(use_tc_tiling_on_sc=False),
        scratch_types=[
            pltpu.VMEM((b_per_w,), jnp.int32),
            pltpu.VMEM((NBUF, 1, SEQ, D_MODEL), jnp.float32),
            pltpu.SemaphoreType.DMA,
            pltpu.SemaphoreType.DMA,
            pltpu.SemaphoreType.DMA,
            pltpu.SemaphoreType.DMA,
        ],
    )
    def emb_kernel(x_hbm, lut_hbm, out_hbm, idx_v, rows_v, g0, g1, o0, o1):
        gsem = [g0, g1]
        osem = [o0, o1]
        wid = lax.axis_index("s") * NC + lax.axis_index("c")
        base = wid * b_per_w
        bat0 = wid * nb_per_w

        def fire(c, b):
            for (off, w) in pieces:
                pltpu.async_copy(
                    lut_hbm.at[idx_v.at[pl.ds(c * SEQ + off, w)]],
                    rows_v.at[b, 0, pl.ds(off, w)],
                    gsem[b],
                )

        def wait_gathers(c, b):
            for (off, w) in pieces:
                pltpu.make_async_copy(
                    lut_hbm.at[idx_v.at[pl.ds(c * SEQ + off, w)]],
                    rows_v.at[b, 0, pl.ds(off, w)],
                    gsem[b],
                ).wait()

        def scale(b):
            @plsc.parallel_loop(0, SEQ, 1, unroll=4)
            def _(r):
                for k in range(VREGS_PER_ROW):
                    sl = pl.ds(k * 16, 16)
                    rows_v[b, 0, r, sl] = rows_v[b, 0, r, sl] * SCALE

        def fire_out(c, b):
            pltpu.async_copy(
                rows_v.at[b],
                out_hbm.at[pl.ds(bat0 + c, 1)],
                osem[b],
            )

        def wait_out(b):
            pltpu.make_async_copy(
                rows_v.at[b],
                out_hbm.at[pl.ds(bat0, 1)],
                osem[b],
            ).wait()

        pltpu.sync_copy(x_hbm.at[pl.ds(base, b_per_w)], idx_v)
        for b in range(NBUF):
            fire(b, b)

        def group(g, carry):
            for b in range(NBUF):
                c = g * NBUF + b
                wait_gathers(c, b)
                scale(b)
                fire_out(c, b)
            for b in range(NBUF):
                c = g * NBUF + NBUF + b

                @pl.when(c < nb_per_w)
                def _():
                    wait_out(b)
                    fire(c, b)
            return carry

        lax.fori_loop(0, ngroups, group, 0)
        for b in range(NBUF):
            wait_out(b)

    return emb_kernel


def kernel(x, lut):
    NB, SEQ = x.shape
    xf = x.astype(jnp.int32).reshape(NB * SEQ)
    return _make_kernel(NB, SEQ)(xf, lut)

# --- scband reference (transcript-rebuilt; emitter-appended) ---
"""Pipeline reference for scband-embeddings-32744830665348 (READ-ONLY COPY).

The authoritative reference and input builder live on the scoring server;
editing this copy changes nothing except your own understanding.
"""

import jax, jax.numpy as jnp
import numpy as np
import math

D_MODEL = 64
VOCAB = 1000000

def setup_inputs(seed: int = 0) -> dict:
    key = jax.random.key(seed)
    k1, k2 = jax.random.split(key)
    x = jax.random.randint(k1, (4096, 200), 0, VOCAB, dtype=jnp.int64 if jax.config.read('jax_enable_x64') else jnp.int32)
    lut = jax.random.normal(k2, (VOCAB, D_MODEL), dtype=jnp.float32)
    return {"x": x, "lut": lut}

def reference(x, lut):
    # Embeddings.forward: self.lut(x) * sqrt(d_model)
    emb = jnp.take(lut, x, axis=0)
    return emb * math.sqrt(D_MODEL)

if __name__ == "__main__":
    import jax
    _d = setup_inputs()
    print(jax.jit(kernel)(*tuple(_d.values())))

</pallas_src>

<mosaic_0001>
#map = affine_map<(d0, d1) -> (0)>
#map1 = affine_map<(d0, d1) -> (0, 0)>
#map2 = affine_map<(d0, d1) -> (0, 0, 0)>
module attributes {stable_mosaic.version = 14 : i64} {
  func.func @emb_kernel(%arg0: i32, %arg1: i32, %arg2: memref<819200xi32, #tpu.memory_space<hbm>>, %arg3: memref<1000000x64xf32, #tpu.memory_space<hbm>>, %arg4: memref<4096x200x64xf32, #tpu.memory_space<hbm>>, %arg5: memref<25600xi32, #tpu.memory_space<vmem>>, %arg6: memref<2x1x200x64xf32, #tpu.memory_space<vmem>>, %arg7: memref<!tpu.dma_semaphore, #tpu.memory_space<semaphore_mem>>, %arg8: memref<!tpu.dma_semaphore, #tpu.memory_space<semaphore_mem>>, %arg9: memref<!tpu.dma_semaphore, #tpu.memory_space<semaphore_mem>>, %arg10: memref<!tpu.dma_semaphore, #tpu.memory_space<semaphore_mem>>) attributes {dimension_semantics = [#tpu.dimension_semantics<core_parallel>, #tpu.dimension_semantics<subcore_parallel>], iteration_bounds = array<i64: 2, 16>, scalar_prefetch = 0 : i64, scratch_operands = 6 : i64, tpu.core_type = #tpu.core_type<sc_vector_subcore>, window_params = [{transform_indices = #map}, {transform_indices = #map1}, {transform_indices = #map2}]} {
    %mul3A = arith.constant 2 : i32
    %mul3A_0 = arith.muli %arg1, %mul3A : i32
    %add3A = arith.addi %mul3A_0, %arg0 : i32
    %mul3A_1 = arith.constant 25600 : i32
    %mul3A_2 = arith.muli %add3A, %mul3A_1 : i32
    %mul3A_3 = arith.constant 128 : i32
    %mul3A_4 = arith.muli %add3A, %mul3A_3 : i32
    "tpu.region"() ({
      %run_scoped3A = tpu.sem_alloc : memref<!tpu.dma_semaphore, #tpu.memory_space<semaphore_mem>>
      %dma_start3A_86 = tpu.memref_slice %arg2[%mul3A_2] : memref<819200xi32, #tpu.memory_space<hbm>> -> memref<25600xi32, #tpu.memory_space<hbm>>
      %dma_start3A_87 = tpu.memref_slice %arg2[%mul3A_2] : memref<819200xi32, #tpu.memory_space<hbm>> -> memref<25600xi32, #tpu.memory_space<hbm>>
      tpu.enqueue_dma source(%dma_start3A_87 : memref<25600xi32, #tpu.memory_space<hbm>>) target(%arg5 : memref<25600xi32, #tpu.memory_space<vmem>>) target_semaphore(%run_scoped3A : memref<!tpu.dma_semaphore, #tpu.memory_space<semaphore_mem>>)
      %dma_wait3A_88 = tpu.memref_slice %arg2[%mul3A_2] : memref<819200xi32, #tpu.memory_space<hbm>> -> memref<25600xi32, #tpu.memory_space<hbm>>
      %dma_wait3A_89 = tpu.memref_slice %arg2[%mul3A_2] : memref<819200xi32, #tpu.memory_space<hbm>> -> memref<25600xi32, #tpu.memory_space<hbm>>
      tpu.wait_dma2 semaphore(%run_scoped3A : memref<!tpu.dma_semaphore, #tpu.memory_space<semaphore_mem>>) src(%dma_wait3A_89 : memref<25600xi32, #tpu.memory_space<hbm>>) dst(%arg5 : memref<25600xi32, #tpu.memory_space<vmem>>)
      tpu.yield
    }) : () -> ()
    %dma_start3A = arith.constant 0 : i32
    %dma_start3A_5 = arith.constant 0 : i32
    %dma_start3A_6 = arith.constant 0 : i32
    %dma_start3A_7 = arith.constant 0 : i32
    %dma_start3A_8 = tpu.memref_slice %arg6[%dma_start3A, %dma_start3A_5, %dma_start3A_6, %dma_start3A_7] : memref<2x1x200x64xf32, #tpu.memory_space<vmem>> -> memref<1x1x128x64xf32, #tpu.memory_space<vmem>>
    %dma_start3A_9 = tpu.memref_squeeze %dma_start3A_8 : memref<1x1x128x64xf32, #tpu.memory_space<vmem>> -> memref<128x64xf32, #tpu.memory_space<vmem>>
    %dma_start3A_10 = arith.constant 0 : i32
    %dma_start3A_11 = tpu.memref_slice %arg5[%dma_start3A_10] : memref<25600xi32, #tpu.memory_space<vmem>> -> memref<128xi32, #tpu.memory_space<vmem>>
    %dma_start3A_12 = arith.constant 0 : i32
    %dma_start3A_13 = arith.constant 0 : i32
    %dma_start3A_14 = tpu.memref_slice %arg3[%dma_start3A_12, %dma_start3A_13] : memref<1000000x64xf32, #tpu.memory_space<hbm>> -> memref<1000000x64xf32, #tpu.memory_space<hbm>>
    tpu.enqueue_indirect_dma source(%dma_start3A_14 : memref<1000000x64xf32, #tpu.memory_space<hbm>>) target(%dma_start3A_9 : memref<128x64xf32, #tpu.memory_space<vmem>>) offsets(%dma_start3A_11 : memref<128xi32, #tpu.memory_space<vmem>>) semaphore(%arg7 : memref<!tpu.dma_semaphore, #tpu.memory_space<semaphore_mem>>)
    %dma_start3A_15 = arith.constant 0 : i32
    %dma_start3A_16 = arith.constant 0 : i32
    %dma_start3A_17 = arith.constant 128 : i32
    %dma_start3A_18 = arith.constant 0 : i32
    %dma_start3A_19 = tpu.memref_slice %arg6[%dma_start3A_15, %dma_start3A_16, %dma_start3A_17, %dma_start3A_18] : memref<2x1x200x64xf32, #tpu.memory_space<vmem>> -> memref<1x1x72x64xf32, #tpu.memory_space<vmem>>
    %dma_start3A_20 = tpu.memref_squeeze %dma_start3A_19 : memref<1x1x72x64xf32, #tpu.memory_space<vmem>> -> memref<72x64xf32, #tpu.memory_space<vmem>>
    %dma_start3A_21 = arith.constant 128 : i32
    %dma_start3A_22 = tpu.memref_slice %arg5[%dma_start3A_21] : memref<25600xi32, #tpu.memory_space<vmem>> -> memref<72xi32, #tpu.memory_space<vmem>>
    %dma_start3A_23 = arith.constant 0 : i32
    %dma_start3A_24 = arith.constant 0 : i32
    %dma_start3A_25 = tpu.memref_slice %arg3[%dma_start3A_23, %dma_start3A_24] : memref<1000000x64xf32, #tpu.memory_space<hbm>> -> memref<1000000x64xf32, #tpu.memory_space<hbm>>
    tpu.enqueue_indirect_dma source(%dma_start3A_25 : memref<1000000x64xf32, #tpu.memory_space<hbm>>) target(%dma_start3A_20 : memref<72x64xf32, #tpu.memory_space<vmem>>) offsets(%dma_start3A_22 : memref<72xi32, #tpu.memory_space<vmem>>) semaphore(%arg7 : memref<!tpu.dma_semaphore, #tpu.memory_space<semaphore_mem>>)
    %dma_start3A_26 = arith.constant 1 : i32
    %dma_start3A_27 = arith.constant 0 : i32
    %dma_start3A_28 = arith.constant 0 : i32
    %dma_start3A_29 = arith.constant 0 : i32
    %dma_start3A_30 = tpu.memref_slice %arg6[%dma_start3A_26, %dma_start3A_27, %dma_start3A_28, %dma_start3A_29] : memref<2x1x200x64xf32, #tpu.memory_space<vmem>> -> memref<1x1x128x64xf32, #tpu.memory_space<vmem>>
    %dma_start3A_31 = tpu.memref_squeeze %dma_start3A_30 : memref<1x1x128x64xf32, #tpu.memory_space<vmem>> -> memref<128x64xf32, #tpu.memory_space<vmem>>
    %dma_start3A_32 = arith.constant 200 : i32
    %dma_start3A_33 = tpu.memref_slice %arg5[%dma_start3A_32] : memref<25600xi32, #tpu.memory_space<vmem>> -> memref<128xi32, #tpu.memory_space<vmem>>
    %dma_start3A_34 = arith.constant 0 : i32
    %dma_start3A_35 = arith.constant 0 : i32
    %dma_start3A_36 = tpu.memref_slice %arg3[%dma_start3A_34, %dma_start3A_35] : memref<1000000x64xf32, #tpu.memory_space<hbm>> -> memref<1000000x64xf32, #tpu.memory_space<hbm>>
    tpu.enqueue_indirect_dma source(%dma_start3A_36 : memref<1000000x64xf32, #tpu.memory_space<hbm>>) target(%dma_start3A_31 : memref<128x64xf32, #tpu.memory_space<vmem>>) offsets(%dma_start3A_33 : memref<128xi32, #tpu.memory_space<vmem>>) semaphore(%arg8 : memref<!tpu.dma_semaphore, #tpu.memory_space<semaphore_mem>>)
    %dma_start3A_37 = arith.constant 1 : i32
    %dma_start3A_38 = arith.constant 0 : i32
    %dma_start3A_39 = arith.constant 128 : i32
    %dma_start3A_40 = arith.constant 0 : i32
    %dma_start3A_41 = tpu.memref_slice %arg6[%dma_start3A_37, %dma_start3A_38, %dma_start3A_39, %dma_start3A_40] : memref<2x1x200x64xf32, #tpu.memory_space<vmem>> -> memref<1x1x72x64xf32, #tpu.memory_space<vmem>>
    %dma_start3A_42 = tpu.memref_squeeze %dma_start3A_41 : memref<1x1x72x64xf32, #tpu.memory_space<vmem>> -> memref<72x64xf32, #tpu.memory_space<vmem>>
    %dma_start3A_43 = arith.constant 328 : i32
    %dma_start3A_44 = tpu.memref_slice %arg5[%dma_start3A_43] : memref<25600xi32, #tpu.memory_space<vmem>> -> memref<72xi32, #tpu.memory_space<vmem>>
    %dma_start3A_45 = arith.constant 0 : i32
    %dma_start3A_46 = arith.constant 0 : i32
    %dma_start3A_47 = tpu.memref_slice %arg3[%dma_start3A_45, %dma_start3A_46] : memref<1000000x64xf32, #tpu.memory_space<hbm>> -> memref<1000000x64xf32, #tpu.memory_space<hbm>>
    tpu.enqueue_indirect_dma source(%dma_start3A_47 : memref<1000000x64xf32, #tpu.memory_space<hbm>>) target(%dma_start3A_42 : memref<72x64xf32, #tpu.memory_space<vmem>>) offsets(%dma_start3A_44 : memref<72xi32, #tpu.memory_space<vmem>>) semaphore(%arg8 : memref<!tpu.dma_semaphore, #tpu.memory_space<semaphore_mem>>)
    %scan3A = arith.constant 0 : i32
    %scan3A_48 = arith.constant 0 : i32
    %scan3A_49 = arith.constant 64 : i32
    %scan3A_50 = arith.addi %scan3A_48, %scan3A_49 : i32
    %scan3A_51 = arith.constant 1 : i32
    scf.for %scan3A_86 = %scan3A_48 to %scan3A_50 step %scan3A_51  : i32 {
      %mul3A_87 = arith.constant 2 : i32
      %mul3A_88 = arith.muli %scan3A_86, %mul3A_87 : i32
      %add3A_89 = arith.constant 0 : i32
      %add3A_90 = arith.addi %mul3A_88, %add3A_89 : i32
      %mul3A_91 = arith.constant 200 : i32
      %mul3A_92 = arith.muli %add3A_90, %mul3A_91 : i32
      %add3A_93 = arith.constant 0 : i32
      %add3A_94 = arith.addi %mul3A_92, %add3A_93 : i32
      %dma_wait3A_95 = arith.constant 0 : i32
      %dma_wait3A_96 = arith.constant 0 : i32
      %dma_wait3A_97 = arith.constant 0 : i32
      %dma_wait3A_98 = arith.constant 0 : i32
      %dma_wait3A_99 = tpu.memref_slice %arg6[%dma_wait3A_95, %dma_wait3A_96, %dma_wait3A_97, %dma_wait3A_98] : memref<2x1x200x64xf32, #tpu.memory_space<vmem>> -> memref<1x1x128x64xf32, #tpu.memory_space<vmem>>
      %dma_wait3A_100 = tpu.memref_squeeze %dma_wait3A_99 : memref<1x1x128x64xf32, #tpu.memory_space<vmem>> -> memref<128x64xf32, #tpu.memory_space<vmem>>
      %dma_wait3A_101 = tpu.memref_slice %arg5[%add3A_94] : memref<25600xi32, #tpu.memory_space<vmem>> -> memref<128xi32, #tpu.memory_space<vmem>>
      %dma_wait3A_102 = arith.constant 0 : i32
      %dma_wait3A_103 = arith.constant 0 : i32
      %dma_wait3A_104 = tpu.memref_slice %arg3[%dma_wait3A_102, %dma_wait3A_103] : memref<1000000x64xf32, #tpu.memory_space<hbm>> -> memref<1000000x64xf32, #tpu.memory_space<hbm>>
      tpu.wait_indirect_dma semaphore(%arg7 : memref<!tpu.dma_semaphore, #tpu.memory_space<semaphore_mem>>) src(%dma_wait3A_104 : memref<1000000x64xf32, #tpu.memory_space<hbm>>) dst(%dma_wait3A_100 : memref<128x64xf32, #tpu.memory_space<vmem>>)
      %mul3A_105 = arith.constant 200 : i32
      %mul3A_106 = arith.muli %add3A_90, %mul3A_105 : i32
      %add3A_107 = arith.constant 128 : i32
      %add3A_108 = arith.addi %mul3A_106, %add3A_107 : i32
      %dma_wait3A_109 = arith.constant 0 : i32
      %dma_wait3A_110 = arith.constant 0 : i32
      %dma_wait3A_111 = arith.constant 128 : i32
      %dma_wait3A_112 = arith.constant 0 : i32
      %dma_wait3A_113 = tpu.memref_slice %arg6[%dma_wait3A_109, %dma_wait3A_110, %dma_wait3A_111, %dma_wait3A_112] : memref<2x1x200x64xf32, #tpu.memory_space<vmem>> -> memref<1x1x72x64xf32, #tpu.memory_space<vmem>>
      %dma_wait3A_114 = tpu.memref_squeeze %dma_wait3A_113 : memref<1x1x72x64xf32, #tpu.memory_space<vmem>> -> memref<72x64xf32, #tpu.memory_space<vmem>>
      %dma_wait3A_115 = tpu.memref_slice %arg5[%add3A_108] : memref<25600xi32, #tpu.memory_space<vmem>> -> memref<72xi32, #tpu.memory_space<vmem>>
      %dma_wait3A_116 = arith.constant 0 : i32
      %dma_wait3A_117 = arith.constant 0 : i32
      %dma_wait3A_118 = tpu.memref_slice %arg3[%dma_wait3A_116, %dma_wait3A_117] : memref<1000000x64xf32, #tpu.memory_space<hbm>> -> memref<1000000x64xf32, #tpu.memory_space<hbm>>
      tpu.wait_indirect_dma semaphore(%arg7 : memref<!tpu.dma_semaphore, #tpu.memory_space<semaphore_mem>>) src(%dma_wait3A_118 : memref<1000000x64xf32, #tpu.memory_space<hbm>>) dst(%dma_wait3A_114 : memref<72x64xf32, #tpu.memory_space<vmem>>)
      %parallel_loop3A = arith.constant 0 : i32
      %parallel_loop3A_119 = arith.constant 200 : i32
      %parallel_loop3A_120 = arith.constant 1 : i32
      scf.for %parallel_loop3A_211 = %parallel_loop3A to %parallel_loop3A_119 step %parallel_loop3A_120  : i32 {
        %parallel_loop3A_212 = arith.constant 0 : i32
        %parallel_loop3A_213 = arith.constant 0 : i32
        %parallel_loop3A_214 = arith.index_cast %parallel_loop3A_212 : i32 to index
        %parallel_loop3A_215 = arith.index_cast %parallel_loop3A_213 : i32 to index
        %parallel_loop3A_216 = arith.index_cast %parallel_loop3A_211 : i32 to index
        %parallel_loop3A_217 = arith.constant 0 : index
        %parallel_loop3A_218 = tpu.vector_load %arg6[%parallel_loop3A_214, %parallel_loop3A_215, %parallel_loop3A_216, %parallel_loop3A_217] {strides = array<i32>} : memref<2x1x200x64xf32, #tpu.memory_space<vmem>>, vector<1x1x1x16xf32>,
        %parallel_loop3A_219 = vector.shape_cast %parallel_loop3A_218 : vector<1x1x1x16xf32> to vector<16xf32>
        %parallel_loop3A_220 = arith.constant 8.000000e+00 : f32
        %parallel_loop3A_221 = vector.broadcast %parallel_loop3A_220 : f32 to vector<16xf32>
        %parallel_loop3A_222 = arith.mulf %parallel_loop3A_219, %parallel_loop3A_221 : vector<16xf32>
        %parallel_loop3A_223 = arith.constant 0 : i32
        %parallel_loop3A_224 = arith.constant 0 : i32
        %parallel_loop3A_225 = arith.index_cast %parallel_loop3A_223 : i32 to index
        %parallel_loop3A_226 = arith.index_cast %parallel_loop3A_224 : i32 to index
        %parallel_loop3A_227 = arith.index_cast %parallel_loop3A_211 : i32 to index
        %parallel_loop3A_228 = arith.constant 0 : index
        %parallel_loop3A_229 = tpu.vector_load %arg6[%parallel_loop3A_225, %parallel_loop3A_226, %parallel_loop3A_227, %parallel_loop3A_228] {strides = array<i32>} : memref<2x1x200x64xf32, #tpu.memory_space<vmem>>, vector<1x1x1x16xf32>,
        %parallel_loop3A_230 = vector.shape_cast %parallel_loop3A_229 : vector<1x1x1x16xf32> to vector<16xf32>
        %parallel_loop3A_231 = vector.shape_cast %parallel_loop3A_222 : vector<16xf32> to vector<1x1x1x16xf32>
        tpu.vector_store %arg6[%parallel_loop3A_225, %parallel_loop3A_226, %parallel_loop3A_227, %parallel_loop3A_228], %parallel_loop3A_231 {strides = array<i32>} : memref<2x1x200x64xf32, #tpu.memory_space<vmem>>, vector<1x1x1x16xf32>,
        %parallel_loop3A_232 = arith.constant 0 : i32
        %parallel_loop3A_233 = arith.constant 0 : i32
        %parallel_loop3A_234 = arith.index_cast %parallel_loop3A_232 : i32 to index
        %parallel_loop3A_235 = arith.index_cast %parallel_loop3A_233 : i32 to index
        %parallel_loop3A_236 = arith.index_cast %parallel_loop3A_211 : i32 to index
        %parallel_loop3A_237 = arith.constant 16 : index
        %parallel_loop3A_238 = tpu.vector_load %arg6[%parallel_loop3A_234, %parallel_loop3A_235, %parallel_loop3A_236, %parallel_loop3A_237] {strides = array<i32>} : memref<2x1x200x64xf32, #tpu.memory_space<vmem>>, vector<1x1x1x16xf32>,
        %parallel_loop3A_239 = vector.shape_cast %parallel_loop3A_238 : vector<1x1x1x16xf32> to vector<16xf32>
        %parallel_loop3A_240 = arith.constant 8.000000e+00 : f32
        %parallel_loop3A_241 = vector.broadcast %parallel_loop3A_240 : f32 to vector<16xf32>
        %parallel_loop3A_242 = arith.mulf %parallel_loop3A_239, %parallel_loop3A_241 : vector<16xf32>
        %parallel_loop3A_243 = arith.constant 0 : i32
        %parallel_loop3A_244 = arith.constant 0 : i32
        %parallel_loop3A_245 = arith.index_cast %parallel_loop3A_243 : i32 to index
        %parallel_loop3A_246 = arith.index_cast %parallel_loop3A_244 : i32 to index
        %parallel_loop3A_247 = arith.index_cast %parallel_loop3A_211 : i32 to index
        %parallel_loop3A_248 = arith.constant 16 : index
        %parallel_loop3A_249 = tpu.vector_load %arg6[%parallel_loop3A_245, %parallel_loop3A_246, %parallel_loop3A_247, %parallel_loop3A_248] {strides = array<i32>} : memref<2x1x200x64xf32, #tpu.memory_space<vmem>>, vector<1x1x1x16xf32>,
        %parallel_loop3A_250 = vector.shape_cast %parallel_loop3A_249 : vector<1x1x1x16xf32> to vector<16xf32>
        %parallel_loop3A_251 = vector.shape_cast %parallel_loop3A_242 : vector<16xf32> to vector<1x1x1x16xf32>
        tpu.vector_store %arg6[%parallel_loop3A_245, %parallel_loop3A_246, %parallel_loop3A_247, %parallel_loop3A_248], %parallel_loop3A_251 {strides = array<i32>} : memref<2x1x200x64xf32, #tpu.memory_space<vmem>>, vector<1x1x1x16xf32>,
        %parallel_loop3A_252 = arith.constant 0 : i32
        %parallel_loop3A_253 = arith.constant 0 : i32
        %parallel_loop3A_254 = arith.index_cast %parallel_loop3A_252 : i32 to index
        %parallel_loop3A_255 = arith.index_cast %parallel_loop3A_253 : i32 to index
        %parallel_loop3A_256 = arith.index_cast %parallel_loop3A_211 : i32 to index
        %parallel_loop3A_257 = arith.constant 32 : index
        %parallel_loop3A_258 = tpu.vector_load %arg6[%parallel_loop3A_254, %parallel_loop3A_255, %parallel_loop3A_256, %parallel_loop3A_257] {strides = array<i32>} : memref<2x1x200x64xf32, #tpu.memory_space<vmem>>, vector<1x1x1x16xf32>,
        %parallel_loop3A_259 = vector.shape_cast %parallel_loop3A_258 : vector<1x1x1x16xf32> to vector<16xf32>
        %parallel_loop3A_260 = arith.constant 8.000000e+00 : f32
        %parallel_loop3A_261 = vector.broadcast %parallel_loop3A_260 : f32 to vector<16xf32>
        %parallel_loop3A_262 = arith.mulf %parallel_loop3A_259, %parallel_loop3A_261 : vector<16xf32>
        %parallel_loop3A_263 = arith.constant 0 : i32
        %parallel_loop3A_264 = arith.constant 0 : i32
        %parallel_loop3A_265 = arith.index_cast %parallel_loop3A_263 : i32 to index
        %parallel_loop3A_266 = arith.index_cast %parallel_loop3A_264 : i32 to index
        %parallel_loop3A_267 = arith.index_cast %parallel_loop3A_211 : i32 to index
        %parallel_loop3A_268 = arith.constant 32 : index
        %parallel_loop3A_269 = tpu.vector_load %arg6[%parallel_loop3A_265, %parallel_loop3A_266, %parallel_loop3A_267, %parallel_loop3A_268] {strides = array<i32>} : memref<2x1x200x64xf32, #tpu.memory_space<vmem>>, vector<1x1x1x16xf32>,
        %parallel_loop3A_270 = vector.shape_cast %parallel_loop3A_269 : vector<1x1x1x16xf32> to vector<16xf32>
        %parallel_loop3A_271 = vector.shape_cast %parallel_loop3A_262 : vector<16xf32> to vector<1x1x1x16xf32>
        tpu.vector_store %arg6[%parallel_loop3A_265, %parallel_loop3A_266, %parallel_loop3A_267, %parallel_loop3A_268], %parallel_loop3A_271 {strides = array<i32>} : memref<2x1x200x64xf32, #tpu.memory_space<vmem>>, vector<1x1x1x16xf32>,
        %parallel_loop3A_272 = arith.constant 0 : i32
        %parallel_loop3A_273 = arith.constant 0 : i32
        %parallel_loop3A_274 = arith.index_cast %parallel_loop3A_272 : i32 to index
        %parallel_loop3A_275 = arith.index_cast %parallel_loop3A_273 : i32 to index
        %parallel_loop3A_276 = arith.index_cast %parallel_loop3A_211 : i32 to index
        %parallel_loop3A_277 = arith.constant 48 : index
        %parallel_loop3A_278 = tpu.vector_load %arg6[%parallel_loop3A_274, %parallel_loop3A_275, %parallel_loop3A_276, %parallel_loop3A_277] {strides = array<i32>} : memref<2x1x200x64xf32, #tpu.memory_space<vmem>>, vector<1x1x1x16xf32>,
        %parallel_loop3A_279 = vector.shape_cast %parallel_loop3A_278 : vector<1x1x1x16xf32> to vector<16xf32>
        %parallel_loop3A_280 = arith.constant 8.000000e+00 : f32
        %parallel_loop3A_281 = vector.broadcast %parallel_loop3A_280 : f32 to vector<16xf32>
        %parallel_loop3A_282 = arith.mulf %parallel_loop3A_279, %parallel_loop3A_281 : vector<16xf32>
        %parallel_loop3A_283 = arith.constant 0 : i32
        %parallel_loop3A_284 = arith.constant 0 : i32
        %parallel_loop3A_285 = arith.index_cast %parallel_loop3A_283 : i32 to index
        %parallel_loop3A_286 = arith.index_cast %parallel_loop3A_284 : i32 to index
        %parallel_loop3A_287 = arith.index_cast %parallel_loop3A_211 : i32 to index
        %parallel_loop3A_288 = arith.constant 48 : index
        %parallel_loop3A_289 = tpu.vector_load %arg6[%parallel_loop3A_285, %parallel_loop3A_286, %parallel_loop3A_287, %parallel_loop3A_288] {strides = array<i32>} : memref<2x1x200x64xf32, #tpu.memory_space<vmem>>, vector<1x1x1x16xf32>,
        %parallel_loop3A_290 = vector.shape_cast %parallel_loop3A_289 : vector<1x1x1x16xf32> to vector<16xf32>
        %parallel_loop3A_291 = vector.shape_cast %parallel_loop3A_282 : vector<16xf32> to vector<1x1x1x16xf32>
        tpu.vector_store %arg6[%parallel_loop3A_285, %parallel_loop3A_286, %parallel_loop3A_287, %parallel_loop3A_288], %parallel_loop3A_291 {strides = array<i32>} : memref<2x1x200x64xf32, #tpu.memory_space<vmem>>, vector<1x1x1x16xf32>,
      } {sc.loop_unroll_factor = 4 : i64, sc.parallel_access}
      %add3A_121 = arith.addi %mul3A_4, %add3A_90 : i32
      %dma_start3A_122 = arith.constant 0 : i32
      %dma_start3A_123 = arith.constant 0 : i32
      %dma_start3A_124 = arith.constant 0 : i32
      %dma_start3A_125 = arith.constant 0 : i32
      %dma_start3A_126 = tpu.memref_slice %arg6[%dma_start3A_122, %dma_start3A_123, %dma_start3A_124, %dma_start3A_125] : memref<2x1x200x64xf32, #tpu.memory_space<vmem>> -> memref<1x1x200x64xf32, #tpu.memory_space<vmem>>
      %dma_start3A_127 = tpu.memref_squeeze %dma_start3A_126 : memref<1x1x200x64xf32, #tpu.memory_space<vmem>> -> memref<1x200x64xf32, #tpu.memory_space<vmem>>
      %dma_start3A_128 = arith.constant 0 : i32
      %dma_start3A_129 = arith.constant 0 : i32
      %dma_start3A_130 = tpu.memref_slice %arg4[%add3A_121, %dma_start3A_128, %dma_start3A_129] : memref<4096x200x64xf32, #tpu.memory_space<hbm>> -> memref<1x200x64xf32, #tpu.memory_space<hbm>>
      %dma_start3A_131 = arith.constant 0 : i32
      %dma_start3A_132 = arith.constant 0 : i32
      %dma_start3A_133 = tpu.memref_slice %arg4[%add3A_121, %dma_start3A_131, %dma_start3A_132] : memref<4096x200x64xf32, #tpu.memory_space<hbm>> -> memref<1x200x64xf32, #tpu.memory_space<hbm>>
      %dma_start3A_134 = arith.constant 0 : i32
      %dma_start3A_135 = arith.constant 0 : i32
      %dma_start3A_136 = arith.constant 0 : i32
      %dma_start3A_137 = tpu.memref_slice %arg6[%dma_start3A_122, %dma_start3A_134, %dma_start3A_135, %dma_start3A_136] : memref<2x1x200x64xf32, #tpu.memory_space<vmem>> -> memref<1x1x200x64xf32, #tpu.memory_space<vmem>>
      %dma_start3A_138 = tpu.memref_squeeze %dma_start3A_137 : memref<1x1x200x64xf32, #tpu.memory_space<vmem>> -> memref<1x200x64xf32, #tpu.memory_space<vmem>>
      tpu.enqueue_dma source(%dma_start3A_138 : memref<1x200x64xf32, #tpu.memory_space<vmem>>) target(%dma_start3A_133 : memref<1x200x64xf32, #tpu.memory_space<hbm>>) target_semaphore(%arg9 : memref<!tpu.dma_semaphore, #tpu.memory_space<semaphore_mem>>)
      %mul3A_139 = arith.constant 2 : i32
      %mul3A_140 = arith.muli %scan3A_86, %mul3A_139 : i32
      %add3A_141 = arith.constant 1 : i32
      %add3A_142 = arith.addi %mul3A_140, %add3A_141 : i32
      %mul3A_143 = arith.constant 200 : i32
      %mul3A_144 = arith.muli %add3A_142, %mul3A_143 : i32
      %add3A_145 = arith.constant 0 : i32
      %add3A_146 = arith.addi %mul3A_144, %add3A_145 : i32
      %dma_wait3A_147 = arith.constant 1 : i32
      %dma_wait3A_148 = arith.constant 0 : i32
      %dma_wait3A_149 = arith.constant 0 : i32
      %dma_wait3A_150 = arith.constant 0 : i32
      %dma_wait3A_151 = tpu.memref_slice %arg6[%dma_wait3A_147, %dma_wait3A_148, %dma_wait3A_149, %dma_wait3A_150] : memref<2x1x200x64xf32, #tpu.memory_space<vmem>> -> memref<1x1x128x64xf32, #tpu.memory_space<vmem>>
      %dma_wait3A_152 = tpu.memref_squeeze %dma_wait3A_151 : memref<1x1x128x64xf32, #tpu.memory_space<vmem>> -> memref<128x64xf32, #tpu.memory_space<vmem>>
      %dma_wait3A_153 = tpu.memref_slice %arg5[%add3A_146] : memref<25600xi32, #tpu.memory_space<vmem>> -> memref<128xi32, #tpu.memory_space<vmem>>
      %dma_wait3A_154 = arith.constant 0 : i32
      %dma_wait3A_155 = arith.constant 0 : i32
      %dma_wait3A_156 = tpu.memref_slice %arg3[%dma_wait3A_154, %dma_wait3A_155] : memref<1000000x64xf32, #tpu.memory_space<hbm>> -> memref<1000000x64xf32, #tpu.memory_space<hbm>>
      tpu.wait_indirect_dma semaphore(%arg8 : memref<!tpu.dma_semaphore, #tpu.memory_space<semaphore_mem>>) src(%dma_wait3A_156 : memref<1000000x64xf32, #tpu.memory_space<hbm>>) dst(%dma_wait3A_152 : memref<128x64xf32, #tpu.memory_space<vmem>>)
      %mul3A_157 = arith.constant 200 : i32
      %mul3A_158 = arith.muli %add3A_142, %mul3A_157 : i32
      %add3A_159 = arith.constant 128 : i32
      %add3A_160 = arith.addi %mul3A_158, %add3A_159 : i32
      %dma_wait3A_161 = arith.constant 1 : i32
      %dma_wait3A_162 = arith.constant 0 : i32
      %dma_wait3A_163 = arith.constant 128 : i32
      %dma_wait3A_164 = arith.constant 0 : i32
      %dma_wait3A_165 = tpu.memref_slice %arg6[%dma_wait3A_161, %dma_wait3A_162, %dma_wait3A_163, %dma_wait3A_164] : memref<2x1x200x64xf32, #tpu.memory_space<vmem>> -> memref<1x1x72x64xf32, #tpu.memory_space<vmem>>
      %dma_wait3A_166 = tpu.memref_squeeze %dma_wait3A_165 : memref<1x1x72x64xf32, #tpu.memory_space<vmem>> -> memref<72x64xf32, #tpu.memory_space<vmem>>
      %dma_wait3A_167 = tpu.memref_slice %arg5[%add3A_160] : memref<25600xi32, #tpu.memory_space<vmem>> -> memref<72xi32, #tpu.memory_space<vmem>>
      %dma_wait3A_168 = arith.constant 0 : i32
      %dma_wait3A_169 = arith.constant 0 : i32
      %dma_wait3A_170 = tpu.memref_slice %arg3[%dma_wait3A_168, %dma_wait3A_169] : memref<1000000x64xf32, #tpu.memory_space<hbm>> -> memref<1000000x64xf32, #tpu.memory_space<hbm>>
      tpu.wait_indirect_dma semaphore(%arg8 : memref<!tpu.dma_semaphore, #tpu.memory_space<semaphore_mem>>) src(%dma_wait3A_170 : memref<1000000x64xf32, #tpu.memory_space<hbm>>) dst(%dma_wait3A_166 : memref<72x64xf32, #tpu.memory_space<vmem>>)
      %parallel_loop3A_171 = arith.constant 0 : i32
      %parallel_loop3A_172 = arith.constant 200 : i32
      %parallel_loop3A_173 = arith.constant 1 : i32
      scf.for %parallel_loop3A_211 = %parallel_loop3A_171 to %parallel_loop3A_172 step %parallel_loop3A_173  : i32 {
        %parallel_loop3A_212 = arith.constant 1 : i32
        %parallel_loop3A_213 = arith.constant 0 : i32
        %parallel_loop3A_214 = arith.index_cast %parallel_loop3A_212 : i32 to index
        %parallel_loop3A_215 = arith.index_cast %parallel_loop3A_213 : i32 to index
        %parallel_loop3A_216 = arith.index_cast %parallel_loop3A_211 : i32 to index
        %parallel_loop3A_217 = arith.constant 0 : index
        %parallel_loop3A_218 = tpu.vector_load %arg6[%parallel_loop3A_214, %parallel_loop3A_215, %parallel_loop3A_216, %parallel_loop3A_217] {strides = array<i32>} : memref<2x1x200x64xf32, #tpu.memory_space<vmem>>, vector<1x1x1x16xf32>,
        %parallel_loop3A_219 = vector.shape_cast %parallel_loop3A_218 : vector<1x1x1x16xf32> to vector<16xf32>
        %parallel_loop3A_220 = arith.constant 8.000000e+00 : f32
        %parallel_loop3A_221 = vector.broadcast %parallel_loop3A_220 : f32 to vector<16xf32>
        %parallel_loop3A_222 = arith.mulf %parallel_loop3A_219, %parallel_loop3A_221 : vector<16xf32>
        %parallel_loop3A_223 = arith.constant 1 : i32
        %parallel_loop3A_224 = arith.constant 0 : i32
        %parallel_loop3A_225 = arith.index_cast %parallel_loop3A_223 : i32 to index
        %parallel_loop3A_226 = arith.index_cast %parallel_loop3A_224 : i32 to index
        %parallel_loop3A_227 = arith.index_cast %parallel_loop3A_211 : i32 to index
        %parallel_loop3A_228 = arith.constant 0 : index
        %parallel_loop3A_229 = tpu.vector_load %arg6[%parallel_loop3A_225, %parallel_loop3A_226, %parallel_loop3A_227, %parallel_loop3A_228] {strides = array<i32>} : memref<2x1x200x64xf32, #tpu.memory_space<vmem>>, vector<1x1x1x16xf32>,
        %parallel_loop3A_230 = vector.shape_cast %parallel_loop3A_229 : vector<1x1x1x16xf32> to vector<16xf32>
        %parallel_loop3A_231 = vector.shape_cast %parallel_loop3A_222 : vector<16xf32> to vector<1x1x1x16xf32>
        tpu.vector_store %arg6[%parallel_loop3A_225, %parallel_loop3A_226, %parallel_loop3A_227, %parallel_loop3A_228], %parallel_loop3A_231 {strides = array<i32>} : memref<2x1x200x64xf32, #tpu.memory_space<vmem>>, vector<1x1x1x16xf32>,
        %parallel_loop3A_232 = arith.constant 1 : i32
        %parallel_loop3A_233 = arith.constant 0 : i32
        %parallel_loop3A_234 = arith.index_cast %parallel_loop3A_232 : i32 to index
        %parallel_loop3A_235 = arith.index_cast %parallel_loop3A_233 : i32 to index
        %parallel_loop3A_236 = arith.index_cast %parallel_loop3A_211 : i32 to index
        %parallel_loop3A_237 = arith.constant 16 : index
        %parallel_loop3A_238 = tpu.vector_load %arg6[%parallel_loop3A_234, %parallel_loop3A_235, %parallel_loop3A_236, %parallel_loop3A_237] {strides = array<i32>} : memref<2x1x200x64xf32, #tpu.memory_space<vmem>>, vector<1x1x1x16xf32>,
        %parallel_loop3A_239 = vector.shape_cast %parallel_loop3A_238 : vector<1x1x1x16xf32> to vector<16xf32>
        %parallel_loop3A_240 = arith.constant 8.000000e+00 : f32
        %parallel_loop3A_241 = vector.broadcast %parallel_loop3A_240 : f32 to vector<16xf32>
        %parallel_loop3A_242 = arith.mulf %parallel_loop3A_239, %parallel_loop3A_241 : vector<16xf32>
        %parallel_loop3A_243 = arith.constant 1 : i32
        %parallel_loop3A_244 = arith.constant 0 : i32
        %parallel_loop3A_245 = arith.index_cast %parallel_loop3A_243 : i32 to index
        %parallel_loop3A_246 = arith.index_cast %parallel_loop3A_244 : i32 to index
        %parallel_loop3A_247 = arith.index_cast %parallel_loop3A_211 : i32 to index
        %parallel_loop3A_248 = arith.constant 16 : index
        %parallel_loop3A_249 = tpu.vector_load %arg6[%parallel_loop3A_245, %parallel_loop3A_246, %parallel_loop3A_247, %parallel_loop3A_248] {strides = array<i32>} : memref<2x1x200x64xf32, #tpu.memory_space<vmem>>, vector<1x1x1x16xf32>,
        %parallel_loop3A_250 = vector.shape_cast %parallel_loop3A_249 : vector<1x1x1x16xf32> to vector<16xf32>
        %parallel_loop3A_251 = vector.shape_cast %parallel_loop3A_242 : vector<16xf32> to vector<1x1x1x16xf32>
        tpu.vector_store %arg6[%parallel_loop3A_245, %parallel_loop3A_246, %parallel_loop3A_247, %parallel_loop3A_248], %parallel_loop3A_251 {strides = array<i32>} : memref<2x1x200x64xf32, #tpu.memory_space<vmem>>, vector<1x1x1x16xf32>,
        %parallel_loop3A_252 = arith.constant 1 : i32
        %parallel_loop3A_253 = arith.constant 0 : i32
        %parallel_loop3A_254 = arith.index_cast %parallel_loop3A_252 : i32 to index
        %parallel_loop3A_255 = arith.index_cast %parallel_loop3A_253 : i32 to index
        %parallel_loop3A_256 = arith.index_cast %parallel_loop3A_211 : i32 to index
        %parallel_loop3A_257 = arith.constant 32 : index
        %parallel_loop3A_258 = tpu.vector_load %arg6[%parallel_loop3A_254, %parallel_loop3A_255, %parallel_loop3A_256, %parallel_loop3A_257] {strides = array<i32>} : memref<2x1x200x64xf32, #tpu.memory_space<vmem>>, vector<1x1x1x16xf32>,
        %parallel_loop3A_259 = vector.shape_cast %parallel_loop3A_258 : vector<1x1x1x16xf32> to vector<16xf32>
        %parallel_loop3A_260 = arith.constant 8.000000e+00 : f32
        %parallel_loop3A_261 = vector.broadcast %parallel_loop3A_260 : f32 to vector<16xf32>
        %parallel_loop3A_262 = arith.mulf %parallel_loop3A_259, %parallel_loop3A_261 : vector<16xf32>
        %parallel_loop3A_263 = arith.constant 1 : i32
        %parallel_loop3A_264 = arith.constant 0 : i32
        %parallel_loop3A_265 = arith.index_cast %parallel_loop3A_263 : i32 to index
        %parallel_loop3A_266 = arith.index_cast %parallel_loop3A_264 : i32 to index
        %parallel_loop3A_267 = arith.index_cast %parallel_loop3A_211 : i32 to index
        %parallel_loop3A_268 = arith.constant 32 : index
        %parallel_loop3A_269 = tpu.vector_load %arg6[%parallel_loop3A_265, %parallel_loop3A_266, %parallel_loop3A_267, %parallel_loop3A_268] {strides = array<i32>} : memref<2x1x200x64xf32, #tpu.memory_space<vmem>>, vector<1x1x1x16xf32>,
        %parallel_loop3A_270 = vector.shape_cast %parallel_loop3A_269 : vector<1x1x1x16xf32> to vector<16xf32>
        %parallel_loop3A_271 = vector.shape_cast %parallel_loop3A_262 : vector<16xf32> to vector<1x1x1x16xf32>
        tpu.vector_store %arg6[%parallel_loop3A_265, %parallel_loop3A_266, %parallel_loop3A_267, %parallel_loop3A_268], %parallel_loop3A_271 {strides = array<i32>} : memref<2x1x200x64xf32, #tpu.memory_space<vmem>>, vector<1x1x1x16xf32>,
        %parallel_loop3A_272 = arith.constant 1 : i32
        %parallel_loop3A_273 = arith.constant 0 : i32
        %parallel_loop3A_274 = arith.index_cast %parallel_loop3A_272 : i32 to index
        %parallel_loop3A_275 = arith.index_cast %parallel_loop3A_273 : i32 to index
        %parallel_loop3A_276 = arith.index_cast %parallel_loop3A_211 : i32 to index
        %parallel_loop3A_277 = arith.constant 48 : index
        %parallel_loop3A_278 = tpu.vector_load %arg6[%parallel_loop3A_274, %parallel_loop3A_275, %parallel_loop3A_276, %parallel_loop3A_277] {strides = array<i32>} : memref<2x1x200x64xf32, #tpu.memory_space<vmem>>, vector<1x1x1x16xf32>,
        %parallel_loop3A_279 = vector.shape_cast %parallel_loop3A_278 : vector<1x1x1x16xf32> to vector<16xf32>
        %parallel_loop3A_280 = arith.constant 8.000000e+00 : f32
        %parallel_loop3A_281 = vector.broadcast %parallel_loop3A_280 : f32 to vector<16xf32>
        %parallel_loop3A_282 = arith.mulf %parallel_loop3A_279, %parallel_loop3A_281 : vector<16xf32>
        %parallel_loop3A_283 = arith.constant 1 : i32
        %parallel_loop3A_284 = arith.constant 0 : i32
        %parallel_loop3A_285 = arith.index_cast %parallel_loop3A_283 : i32 to index
        %parallel_loop3A_286 = arith.index_cast %parallel_loop3A_284 : i32 to index
        %parallel_loop3A_287 = arith.index_cast %parallel_loop3A_211 : i32 to index
        %parallel_loop3A_288 = arith.constant 48 : index
        %parallel_loop3A_289 = tpu.vector_load %arg6[%parallel_loop3A_285, %parallel_loop3A_286, %parallel_loop3A_287, %parallel_loop3A_288] {strides = array<i32>} : memref<2x1x200x64xf32, #tpu.memory_space<vmem>>, vector<1x1x1x16xf32>,
        %parallel_loop3A_290 = vector.shape_cast %parallel_loop3A_289 : vector<1x1x1x16xf32> to vector<16xf32>
        %parallel_loop3A_291 = vector.shape_cast %parallel_loop3A_282 : vector<16xf32> to vector<1x1x1x16xf32>
        tpu.vector_store %arg6[%parallel_loop3A_285, %parallel_loop3A_286, %parallel_loop3A_287, %parallel_loop3A_288], %parallel_loop3A_291 {strides = array<i32>} : memref<2x1x200x64xf32, #tpu.memory_space<vmem>>, vector<1x1x1x16xf32>,
      } {sc.loop_unroll_factor = 4 : i64, sc.parallel_access}
      %add3A_174 = arith.addi %mul3A_4, %add3A_142 : i32
      %dma_start3A_175 = arith.constant 1 : i32
      %dma_start3A_176 = arith.constant 0 : i32
      %dma_start3A_177 = arith.constant 0 : i32
      %dma_start3A_178 = arith.constant 0 : i32
      %dma_start3A_179 = tpu.memref_slice %arg6[%dma_start3A_175, %dma_start3A_176, %dma_start3A_177, %dma_start3A_178] : memref<2x1x200x64xf32, #tpu.memory_space<vmem>> -> memref<1x1x200x64xf32, #tpu.memory_space<vmem>>
      %dma_start3A_180 = tpu.memref_squeeze %dma_start3A_179 : memref<1x1x200x64xf32, #tpu.memory_space<vmem>> -> memref<1x200x64xf32, #tpu.memory_space<vmem>>
      %dma_start3A_181 = arith.constant 0 : i32
      %dma_start3A_182 = arith.constant 0 : i32
      %dma_start3A_183 = tpu.memref_slice %arg4[%add3A_174, %dma_start3A_181, %dma_start3A_182] : memref<4096x200x64xf32, #tpu.memory_space<hbm>> -> memref<1x200x64xf32, #tpu.memory_space<hbm>>
      %dma_start3A_184 = arith.constant 0 : i32
      %dma_start3A_185 = arith.constant 0 : i32
      %dma_start3A_186 = tpu.memref_slice %arg4[%add3A_174, %dma_start3A_184, %dma_start3A_185] : memref<4096x200x64xf32, #tpu.memory_space<hbm>> -> memref<1x200x64xf32, #tpu.memory_space<hbm>>
      %dma_start3A_187 = arith.constant 0 : i32
      %dma_start3A_188 = arith.constant 0 : i32
      %dma_start3A_189 = arith.constant 0 : i32
      %dma_start3A_190 = tpu.memref_slice %arg6[%dma_start3A_175, %dma_start3A_187, %dma_start3A_188, %dma_start3A_189] : memref<2x1x200x64xf32, #tpu.memory_space<vmem>> -> memref<1x1x200x64xf32, #tpu.memory_space<vmem>>
      %dma_start3A_191 = tpu.memref_squeeze %dma_start3A_190 : memref<1x1x200x64xf32, #tpu.memory_space<vmem>> -> memref<1x200x64xf32, #tpu.memory_space<vmem>>
      tpu.enqueue_dma source(%dma_start3A_191 : memref<1x200x64xf32, #tpu.memory_space<vmem>>) target(%dma_start3A_186 : memref<1x200x64xf32, #tpu.memory_space<hbm>>) target_semaphore(%arg10 : memref<!tpu.dma_semaphore, #tpu.memory_space<semaphore_mem>>)
      %mul3A_192 = arith.constant 2 : i32
      %mul3A_193 = arith.muli %scan3A_86, %mul3A_192 : i32
      %add3A_194 = arith.constant 2 : i32
      %add3A_195 = arith.addi %mul3A_193, %add3A_194 : i32
      %add3A_196 = arith.constant 0 : i32
      %add3A_197 = arith.addi %add3A_195, %add3A_196 : i32
      %lt3A = arith.constant 128 : i32
      %lt3A_198 = arith.cmpi slt, %add3A_197, %lt3A : i32
      %convert_element_type3A = arith.extui %lt3A_198 : i1 to i32
      %cond3A = arith.constant 0 : i32
      %cond3A_199 = arith.cmpi ne, %convert_element_type3A, %cond3A : i32
      scf.if %cond3A_199 {
        %dma_wait3A_211 = arith.constant 0 : i32
        %dma_wait3A_212 = arith.constant 0 : i32
        %dma_wait3A_213 = arith.constant 0 : i32
        %dma_wait3A_214 = arith.constant 0 : i32
        %dma_wait3A_215 = tpu.memref_slice %arg6[%dma_wait3A_211, %dma_wait3A_212, %dma_wait3A_213, %dma_wait3A_214] : memref<2x1x200x64xf32, #tpu.memory_space<vmem>> -> memref<1x1x200x64xf32, #tpu.memory_space<vmem>>
        %dma_wait3A_216 = tpu.memref_squeeze %dma_wait3A_215 : memref<1x1x200x64xf32, #tpu.memory_space<vmem>> -> memref<1x200x64xf32, #tpu.memory_space<vmem>>
        %dma_wait3A_217 = arith.constant 0 : i32
        %dma_wait3A_218 = arith.constant 0 : i32
        %dma_wait3A_219 = tpu.memref_slice %arg4[%mul3A_4, %dma_wait3A_217, %dma_wait3A_218] : memref<4096x200x64xf32, #tpu.memory_space<hbm>> -> memref<1x200x64xf32, #tpu.memory_space<hbm>>
        %dma_wait3A_220 = arith.constant 0 : i32
        %dma_wait3A_221 = arith.constant 0 : i32
        %dma_wait3A_222 = tpu.memref_slice %arg4[%mul3A_4, %dma_wait3A_220, %dma_wait3A_221] : memref<4096x200x64xf32, #tpu.memory_space<hbm>> -> memref<1x200x64xf32, #tpu.memory_space<hbm>>
        %dma_wait3A_223 = arith.constant 0 : i32
        %dma_wait3A_224 = arith.constant 0 : i32
        %dma_wait3A_225 = arith.constant 0 : i32
        %dma_wait3A_226 = tpu.memref_slice %arg6[%dma_wait3A_211, %dma_wait3A_223, %dma_wait3A_224, %dma_wait3A_225] : memref<2x1x200x64xf32, #tpu.memory_space<vmem>> -> memref<1x1x200x64xf32, #tpu.memory_space<vmem>>
        %dma_wait3A_227 = tpu.memref_squeeze %dma_wait3A_226 : memref<1x1x200x64xf32, #tpu.memory_space<vmem>> -> memref<1x200x64xf32, #tpu.memory_space<vmem>>
        tpu.wait_dma2 semaphore(%arg9 : memref<!tpu.dma_semaphore, #tpu.memory_space<semaphore_mem>>) src(%dma_wait3A_227 : memref<1x200x64xf32, #tpu.memory_space<vmem>>) dst(%dma_wait3A_222 : memref<1x200x64xf32, #tpu.memory_space<hbm>>)
        %mul3A_228 = arith.constant 200 : i32
        %mul3A_229 = arith.muli %add3A_197, %mul3A_228 : i32
        %add3A_230 = arith.constant 0 : i32
        %add3A_231 = arith.addi %mul3A_229, %add3A_230 : i32
        %dma_start3A_232 = arith.constant 0 : i32
        %dma_start3A_233 = arith.constant 0 : i32
        %dma_start3A_234 = arith.constant 0 : i32
        %dma_start3A_235 = arith.constant 0 : i32
        %dma_start3A_236 = tpu.memref_slice %arg6[%dma_start3A_232, %dma_start3A_233, %dma_start3A_234, %dma_start3A_235] : memref<2x1x200x64xf32, #tpu.memory_space<vmem>> -> memref<1x1x128x64xf32, #tpu.memory_space<vmem>>
        %dma_start3A_237 = tpu.memref_squeeze %dma_start3A_236 : memref<1x1x128x64xf32, #tpu.memory_space<vmem>> -> memref<128x64xf32, #tpu.memory_space<vmem>>
        %dma_start3A_238 = tpu.memref_slice %arg5[%add3A_231] : memref<25600xi32, #tpu.memory_space<vmem>> -> memref<128xi32, #tpu.memory_space<vmem>>
        %dma_start3A_239 = arith.constant 0 : i32
        %dma_start3A_240 = arith.constant 0 : i32
        %dma_start3A_241 = tpu.memref_slice %arg3[%dma_start3A_239, %dma_start3A_240] : memref<1000000x64xf32, #tpu.memory_space<hbm>> -> memref<1000000x64xf32, #tpu.memory_space<hbm>>
        tpu.enqueue_indirect_dma source(%dma_start3A_241 : memref<1000000x64xf32, #tpu.memory_space<hbm>>) target(%dma_start3A_237 : memref<128x64xf32, #tpu.memory_space<vmem>>) offsets(%dma_start3A_238 : memref<128xi32, #tpu.memory_space<vmem>>) semaphore(%arg7 : memref<!tpu.dma_semaphore, #tpu.memory_space<semaphore_mem>>)
        %mul3A_242 = arith.constant 200 : i32
        %mul3A_243 = arith.muli %add3A_197, %mul3A_242 : i32
        %add3A_244 = arith.constant 128 : i32
        %add3A_245 = arith.addi %mul3A_243, %add3A_244 : i32
        %dma_start3A_246 = arith.constant 0 : i32
        %dma_start3A_247 = arith.constant 0 : i32
        %dma_start3A_248 = arith.constant 128 : i32
        %dma_start3A_249 = arith.constant 0 : i32
        %dma_start3A_250 = tpu.memref_slice %arg6[%dma_start3A_246, %dma_start3A_247, %dma_start3A_248, %dma_start3A_249] : memref<2x1x200x64xf32, #tpu.memory_space<vmem>> -> memref<1x1x72x64xf32, #tpu.memory_space<vmem>>
        %dma_start3A_251 = tpu.memref_squeeze %dma_start3A_250 : memref<1x1x72x64xf32, #tpu.memory_space<vmem>> -> memref<72x64xf32, #tpu.memory_space<vmem>>
        %dma_start3A_252 = tpu.memref_slice %arg5[%add3A_245] : memref<25600xi32, #tpu.memory_space<vmem>> -> memref<72xi32, #tpu.memory_space<vmem>>
        %dma_start3A_253 = arith.constant 0 : i32
        %dma_start3A_254 = arith.constant 0 : i32
        %dma_start3A_255 = tpu.memref_slice %arg3[%dma_start3A_253, %dma_start3A_254] : memref<1000000x64xf32, #tpu.memory_space<hbm>> -> memref<1000000x64xf32, #tpu.memory_space<hbm>>
        tpu.enqueue_indirect_dma source(%dma_start3A_255 : memref<1000000x64xf32, #tpu.memory_space<hbm>>) target(%dma_start3A_251 : memref<72x64xf32, #tpu.memory_space<vmem>>) offsets(%dma_start3A_252 : memref<72xi32, #tpu.memory_space<vmem>>) semaphore(%arg7 : memref<!tpu.dma_semaphore, #tpu.memory_space<semaphore_mem>>)
      } else {
      }
      %mul3A_200 = arith.constant 2 : i32
      %mul3A_201 = arith.muli %scan3A_86, %mul3A_200 : i32
      %add3A_202 = arith.constant 2 : i32
      %add3A_203 = arith.addi %mul3A_201, %add3A_202 : i32
      %add3A_204 = arith.constant 1 : i32
      %add3A_205 = arith.addi %add3A_203, %add3A_204 : i32
      %lt3A_206 = arith.constant 128 : i32
      %lt3A_207 = arith.cmpi slt, %add3A_205, %lt3A_206 : i32
      %convert_element_type3A_208 = arith.extui %lt3A_207 : i1 to i32
      %cond3A_209 = arith.constant 0 : i32
      %cond3A_210 = arith.cmpi ne, %convert_element_type3A_208, %cond3A_209 : i32
      scf.if %cond3A_210 {
        %dma_wait3A_211 = arith.constant 1 : i32
        %dma_wait3A_212 = arith.constant 0 : i32
        %dma_wait3A_213 = arith.constant 0 : i32
        %dma_wait3A_214 = arith.constant 0 : i32
        %dma_wait3A_215 = tpu.memref_slice %arg6[%dma_wait3A_211, %dma_wait3A_212, %dma_wait3A_213, %dma_wait3A_214] : memref<2x1x200x64xf32, #tpu.memory_space<vmem>> -> memref<1x1x200x64xf32, #tpu.memory_space<vmem>>
        %dma_wait3A_216 = tpu.memref_squeeze %dma_wait3A_215 : memref<1x1x200x64xf32, #tpu.memory_space<vmem>> -> memref<1x200x64xf32, #tpu.memory_space<vmem>>
        %dma_wait3A_217 = arith.constant 0 : i32
        %dma_wait3A_218 = arith.constant 0 : i32
        %dma_wait3A_219 = tpu.memref_slice %arg4[%mul3A_4, %dma_wait3A_217, %dma_wait3A_218] : memref<4096x200x64xf32, #tpu.memory_space<hbm>> -> memref<1x200x64xf32, #tpu.memory_space<hbm>>
        %dma_wait3A_220 = arith.constant 0 : i32
        %dma_wait3A_221 = arith.constant 0 : i32
        %dma_wait3A_222 = tpu.memref_slice %arg4[%mul3A_4, %dma_wait3A_220, %dma_wait3A_221] : memref<4096x200x64xf32, #tpu.memory_space<hbm>> -> memref<1x200x64xf32, #tpu.memory_space<hbm>>
        %dma_wait3A_223 = arith.constant 0 : i32
        %dma_wait3A_224 = arith.constant 0 : i32
        %dma_wait3A_225 = arith.constant 0 : i32
        %dma_wait3A_226 = tpu.memref_slice %arg6[%dma_wait3A_211, %dma_wait3A_223, %dma_wait3A_224, %dma_wait3A_225] : memref<2x1x200x64xf32, #tpu.memory_space<vmem>> -> memref<1x1x200x64xf32, #tpu.memory_space<vmem>>
        %dma_wait3A_227 = tpu.memref_squeeze %dma_wait3A_226 : memref<1x1x200x64xf32, #tpu.memory_space<vmem>> -> memref<1x200x64xf32, #tpu.memory_space<vmem>>
        tpu.wait_dma2 semaphore(%arg10 : memref<!tpu.dma_semaphore, #tpu.memory_space<semaphore_mem>>) src(%dma_wait3A_227 : memref<1x200x64xf32, #tpu.memory_space<vmem>>) dst(%dma_wait3A_222 : memref<1x200x64xf32, #tpu.memory_space<hbm>>)
        %mul3A_228 = arith.constant 200 : i32
        %mul3A_229 = arith.muli %add3A_205, %mul3A_228 : i32
        %add3A_230 = arith.constant 0 : i32
        %add3A_231 = arith.addi %mul3A_229, %add3A_230 : i32
        %dma_start3A_232 = arith.constant 1 : i32
        %dma_start3A_233 = arith.constant 0 : i32
        %dma_start3A_234 = arith.constant 0 : i32
        %dma_start3A_235 = arith.constant 0 : i32
        %dma_start3A_236 = tpu.memref_slice %arg6[%dma_start3A_232, %dma_start3A_233, %dma_start3A_234, %dma_start3A_235] : memref<2x1x200x64xf32, #tpu.memory_space<vmem>> -> memref<1x1x128x64xf32, #tpu.memory_space<vmem>>
        %dma_start3A_237 = tpu.memref_squeeze %dma_start3A_236 : memref<1x1x128x64xf32, #tpu.memory_space<vmem>> -> memref<128x64xf32, #tpu.memory_space<vmem>>
        %dma_start3A_238 = tpu.memref_slice %arg5[%add3A_231] : memref<25600xi32, #tpu.memory_space<vmem>> -> memref<128xi32, #tpu.memory_space<vmem>>
        %dma_start3A_239 = arith.constant 0 : i32
        %dma_start3A_240 = arith.constant 0 : i32
        %dma_start3A_241 = tpu.memref_slice %arg3[%dma_start3A_239, %dma_start3A_240] : memref<1000000x64xf32, #tpu.memory_space<hbm>> -> memref<1000000x64xf32, #tpu.memory_space<hbm>>
        tpu.enqueue_indirect_dma source(%dma_start3A_241 : memref<1000000x64xf32, #tpu.memory_space<hbm>>) target(%dma_start3A_237 : memref<128x64xf32, #tpu.memory_space<vmem>>) offsets(%dma_start3A_238 : memref<128xi32, #tpu.memory_space<vmem>>) semaphore(%arg8 : memref<!tpu.dma_semaphore, #tpu.memory_space<semaphore_mem>>)
        %mul3A_242 = arith.constant 200 : i32
        %mul3A_243 = arith.muli %add3A_205, %mul3A_242 : i32
        %add3A_244 = arith.constant 128 : i32
        %add3A_245 = arith.addi %mul3A_243, %add3A_244 : i32
        %dma_start3A_246 = arith.constant 1 : i32
        %dma_start3A_247 = arith.constant 0 : i32
        %dma_start3A_248 = arith.constant 128 : i32
        %dma_start3A_249 = arith.constant 0 : i32
        %dma_start3A_250 = tpu.memref_slice %arg6[%dma_start3A_246, %dma_start3A_247, %dma_start3A_248, %dma_start3A_249] : memref<2x1x200x64xf32, #tpu.memory_space<vmem>> -> memref<1x1x72x64xf32, #tpu.memory_space<vmem>>
        %dma_start3A_251 = tpu.memref_squeeze %dma_start3A_250 : memref<1x1x72x64xf32, #tpu.memory_space<vmem>> -> memref<72x64xf32, #tpu.memory_space<vmem>>
        %dma_start3A_252 = tpu.memref_slice %arg5[%add3A_245] : memref<25600xi32, #tpu.memory_space<vmem>> -> memref<72xi32, #tpu.memory_space<vmem>>
        %dma_start3A_253 = arith.constant 0 : i32
        %dma_start3A_254 = arith.constant 0 : i32
        %dma_start3A_255 = tpu.memref_slice %arg3[%dma_start3A_253, %dma_start3A_254] : memref<1000000x64xf32, #tpu.memory_space<hbm>> -> memref<1000000x64xf32, #tpu.memory_space<hbm>>
        tpu.enqueue_indirect_dma source(%dma_start3A_255 : memref<1000000x64xf32, #tpu.memory_space<hbm>>) target(%dma_start3A_251 : memref<72x64xf32, #tpu.memory_space<vmem>>) offsets(%dma_start3A_252 : memref<72xi32, #tpu.memory_space<vmem>>) semaphore(%arg8 : memref<!tpu.dma_semaphore, #tpu.memory_space<semaphore_mem>>)
      } else {
      }
    }
    %scan3A_52 = arith.constant 64 : i32
    %dma_wait3A = arith.constant 0 : i32
    %dma_wait3A_53 = arith.constant 0 : i32
    %dma_wait3A_54 = arith.constant 0 : i32
    %dma_wait3A_55 = arith.constant 0 : i32
    %dma_wait3A_56 = tpu.memref_slice %arg6[%dma_wait3A, %dma_wait3A_53, %dma_wait3A_54, %dma_wait3A_55] : memref<2x1x200x64xf32, #tpu.memory_space<vmem>> -> memref<1x1x200x64xf32, #tpu.memory_space<vmem>>
    %dma_wait3A_57 = tpu.memref_squeeze %dma_wait3A_56 : memref<1x1x200x64xf32, #tpu.memory_space<vmem>> -> memref<1x200x64xf32, #tpu.memory_space<vmem>>
    %dma_wait3A_58 = arith.constant 0 : i32
    %dma_wait3A_59 = arith.constant 0 : i32
    %dma_wait3A_60 = tpu.memref_slice %arg4[%mul3A_4, %dma_wait3A_58, %dma_wait3A_59] : memref<4096x200x64xf32, #tpu.memory_space<hbm>> -> memref<1x200x64xf32, #tpu.memory_space<hbm>>
    %dma_wait3A_61 = arith.constant 0 : i32
    %dma_wait3A_62 = arith.constant 0 : i32
    %dma_wait3A_63 = tpu.memref_slice %arg4[%mul3A_4, %dma_wait3A_61, %dma_wait3A_62] : memref<4096x200x64xf32, #tpu.memory_space<hbm>> -> memref<1x200x64xf32, #tpu.memory_space<hbm>>
    %dma_wait3A_64 = arith.constant 0 : i32
    %dma_wait3A_65 = arith.constant 0 : i32
    %dma_wait3A_66 = arith.constant 0 : i32
    %dma_wait3A_67 = tpu.memref_slice %arg6[%dma_wait3A, %dma_wait3A_64, %dma_wait3A_65, %dma_wait3A_66] : memref<2x1x200x64xf32, #tpu.memory_space<vmem>> -> memref<1x1x200x64xf32, #tpu.memory_space<vmem>>
    %dma_wait3A_68 = tpu.memref_squeeze %dma_wait3A_67 : memref<1x1x200x64xf32, #tpu.memory_space<vmem>> -> memref<1x200x64xf32, #tpu.memory_space<vmem>>
    tpu.wait_dma2 semaphore(%arg9 : memref<!tpu.dma_semaphore, #tpu.memory_space<semaphore_mem>>) src(%dma_wait3A_68 : memref<1x200x64xf32, #tpu.memory_space<vmem>>) dst(%dma_wait3A_63 : memref<1x200x64xf32, #tpu.memory_space<hbm>>)
    %dma_wait3A_69 = arith.constant 1 : i32
    %dma_wait3A_70 = arith.constant 0 : i32
    %dma_wait3A_71 = arith.constant 0 : i32
    %dma_wait3A_72 = arith.constant 0 : i32
    %dma_wait3A_73 = tpu.memref_slice %arg6[%dma_wait3A_69, %dma_wait3A_70, %dma_wait3A_71, %dma_wait3A_72] : memref<2x1x200x64xf32, #tpu.memory_space<vmem>> -> memref<1x1x200x64xf32, #tpu.memory_space<vmem>>
    %dma_wait3A_74 = tpu.memref_squeeze %dma_wait3A_73 : memref<1x1x200x64xf32, #tpu.memory_space<vmem>> -> memref<1x200x64xf32, #tpu.memory_space<vmem>>
    %dma_wait3A_75 = arith.constant 0 : i32
    %dma_wait3A_76 = arith.constant 0 : i32
    %dma_wait3A_77 = tpu.memref_slice %arg4[%mul3A_4, %dma_wait3A_75, %dma_wait3A_76] : memref<4096x200x64xf32, #tpu.memory_space<hbm>> -> memref<1x200x64xf32, #tpu.memory_space<hbm>>
    %dma_wait3A_78 = arith.constant 0 : i32
    %dma_wait3A_79 = arith.constant 0 : i32
    %dma_wait3A_80 = tpu.memref_slice %arg4[%mul3A_4, %dma_wait3A_78, %dma_wait3A_79] : memref<4096x200x64xf32, #tpu.memory_space<hbm>> -> memref<1x200x64xf32, #tpu.memory_space<hbm>>
    %dma_wait3A_81 = arith.constant 0 : i32
    %dma_wait3A_82 = arith.constant 0 : i32
    %dma_wait3A_83 = arith.constant 0 : i32
    %dma_wait3A_84 = tpu.memref_slice %arg6[%dma_wait3A_69, %dma_wait3A_81, %dma_wait3A_82, %dma_wait3A_83] : memref<2x1x200x64xf32, #tpu.memory_space<vmem>> -> memref<1x1x200x64xf32, #tpu.memory_space<vmem>>
    %dma_wait3A_85 = tpu.memref_squeeze %dma_wait3A_84 : memref<1x1x200x64xf32, #tpu.memory_space<vmem>> -> memref<1x200x64xf32, #tpu.memory_space<vmem>>
    tpu.wait_dma2 semaphore(%arg10 : memref<!tpu.dma_semaphore, #tpu.memory_space<semaphore_mem>>) src(%dma_wait3A_85 : memref<1x200x64xf32, #tpu.memory_space<vmem>>) dst(%dma_wait3A_80 : memref<1x200x64xf32, #tpu.memory_space<hbm>>)
    return
  }
}

</mosaic_0001>

<sc_bundles>
// kernel: kernel.3.cloned.1.call-start
scs
__scs_entry_jumppad:
0x0: {  	(pc) =	sbr.rel $0x88, $3  }
0x1: {  	(tag) =	ssettag $0x0;
	lr =	simm.s32 $0x1  }
0x2: {  	[smem:$0x3F9F] =	sst lr;
	_ =	strace $0xD0000000  }
0x3: {  	_ = 	snop  }
0x4: {  	_ = 	snop  }
0x5: {  	_ = 	snop  }
0x6: {  	_ = 	snop  }
0x7: {  	_ = 	snop  }
__scs_overlays_trampoline_lowered:
0x8: {  	[smem:$0x3FAE] =	sst s0  }
0x9: {  	[smem:$0x3FAF] =	sst s1  }
0xa: {  	[smem:$0x3FB0] =	sst s2  }
0xb: {  	[smem:$0x3FB1] =	sst s3  }
0xc: {  	[smem:$0x3FB2] =	sst s4  }
0xd: {  	[smem:$0x3FB3] =	sst s5  }
0xe: {  	[smem:$0x3FB4] =	sst s6  }
0xf: {  	[smem:$0x3FB5] =	sst s7  }
0x10: {  	[smem:$0x3FB6] =	sst s8  }
0x11: {  	[smem:$0x3FB7] =	sst s9;
	s0 =	simm.s32 @!p0 $0x0  }
0x12: {  	s1 =	sld [smem:$0x3F9D];
	s0 =	simm.s32 @p0 $0x1  }
0x13: {  	[smem:$0x3FB8] =	sst s0;
	s0 =	simm.s32 @!p1 $0x0  }
0x14: {  	s2 =	sld [smem:$0x3F9C];
	s0 =	simm.s32 @p1 $0x1  }
0x15: {  	[smem:$0x3FB9] =	sst s0;
	s0 =	simm.s32 @!p2 $0x0  }
0x16: {  	s3 =	sld [smem:$0x3FDB];
	s0 =	simm.s32 @p2 $0x1  }
0x17: {  	s4 =	simm.s32 $0x1BF5;
	[smem:$0x3FBB] =	sst s0  }
0x18: {  	s0 =	sld [smem:$0x3F9E];
	_ =	swait.ge [sflag:s4], $0x0  }
0x19: {  	s7 =	sld [smem:$0x3F9F]  }
0x1a: {  	s8 =	sadd.s32 $0xFFFFE003, lr  }
0x1b: {  	s9 =	sadd.s32 $0xFFFFFEF7, lr;
	s5 =	simm.s32 $0xFFFFFFFF;
	p2 =	slt.u32 s8, $0xFFFFF086  }
0x1c: {  	p1 =	slt.u32 s9, $0xF7A;
	s5 =	simm.s32 @!p2 $0x0  }
0x1d: {  	s5 =	simm.s32 @p1 $0x1;
	p0 =	seq.s32 s7, s2  }
0x1e: {  	s7 =	smul.u32 @!p0 $0xF7A, s2;
	p2 =	seq.s32 @!p0 s5, $0x0  }
0x1f: {  	s9 =	smul.u32 $0xF7A, s1;
	s8 =	simm.s32 @!p0 $0x1BF5;
	p2 =	por !p2, p0  }
0x20: {  	[sflag:s8] =	ssyncset.s32 @!p0 $0xFFFFF086;
	s6 =	sadd.s32 @!p0 s3, s7;
	s7 =	simm.s32 @!p0 $0x108  }
0x21: {  	s3 =	sadd.s32 s3, s9;
	s6 =	sadd.s32 @!p0 $0x88, s6;
	s7 =	simm.s32 @p2 $0x1082  }
0x22: {  	[simem:s7], [sflag:s8] =	dma.local @!p0 [hbm:s6], $0xF7A  }
0x23: {  	s9 =	sor.u32 $0xD0000000, s2;
	s6 =	simm.s32 $0x108;
	_ =	swait.ge @!p0 [sflag:s8], $0x0  }
0x24: {  	s3 =	sadd.s32 $0x88, s3;
	s6 =	simm.s32 @!p1 $0x1082;
	[sflag:s4] =	ssyncset.s32 $0xFFFFF086  }
0x25: {  	[simem:s6], [sflag:s4] =	dma.local [hbm:s3], $0xF7A  }
0x26: {  	[smem:$0x3F9F] =	sst s1;
	(tag) =	ssettag s2;
	_ =	strace s9  }
0x27: {  	s1 =	sld [smem:$0x3FAF]  }
0x28: {  	s2 =	sld [smem:$0x3FB0]  }
0x29: {  	s4 =	sld [smem:$0x3FB2]  }
0x2a: {  	p0 =	seq.s32 s5, $0x0;
	s5 =	sld [smem:$0x3FB3]  }
0x2b: {  	s6 =	sld [smem:$0x3FB4]  }
0x2c: {  	s7 =	sld [smem:$0x3FB5]  }
0x2d: {  	s3 =	simm.s32 $0x108;
	s8 =	sld [smem:$0x3FB6]  }
0x2e: {  	s3 =	simm.s32 @!p0 $0x1082;
	s9 =	sld [smem:$0x3FB7]  }
0x2f: {  	lr =	sadd.s32 s0, s3;
	s0 =	sld [smem:$0x3FAE]  }
0x30: {  	s3 =	sld [smem:$0x3FB1]  }
0x31: {  	[smem:$0x3FBA] =	sst s10  }
0x32: {  	s10 =	sld [smem:$0x3FB8];
	_ =	sdelay $0x3  }
0x33: {  	p0 =	seq.s32 s10, $0x1;
	s10 =	sld [smem:$0x3FBA];
	_ =	sdelay $0x3  }
0x34: {  	[smem:$0x3FBA] =	sst s10  }
0x35: {  	s10 =	sld [smem:$0x3FB9];
	_ =	sdelay $0x3  }
0x36: {  	p1 =	seq.s32 s10, $0x1;
	s10 =	sld [smem:$0x3FBA];
	_ =	sdelay $0x3  }
0x37: {  	[smem:$0x3FBA] =	sst s10  }
0x38: {  	s10 =	sld [smem:$0x3FBB]  }
0x39: {  	_ = 	snop;
	(pc) =	sbr.ind lr, $3  }
0x3a: {  	_ = 	snop  }
0x3b: {  	_ = 	snop  }
0x3c: {  	p2 =	seq.s32 s10, $0x1;
	s10 =	sld [smem:$0x3FBA]  }
0x3d: {  	_ =	shalt  }
0x3e: {  	_ =	shalt  }
0x3f: {  	_ =	shalt  }
0x40: {  	_ =	shalt  }
0x41: {  	_ =	shalt  }
0x42: {  	_ =	shalt  }
0x43: {  	_ =	shalt  }
0x44: {  	_ =	shalt  }
0x45: {  	_ =	shalt  }
0x46: {  	_ =	shalt  }
0x47: {  	_ =	shalt  }
0x48: {  	_ =	shalt  }
0x49: {  	_ =	shalt  }
0x4a: {  	_ =	shalt  }
0x4b: {  	_ =	shalt  }
0x4c: {  	_ =	shalt  }
0x4d: {  	_ =	shalt  }
0x4e: {  	_ =	shalt  }
0x4f: {  	_ =	shalt  }
0x50: {  	_ =	shalt  }
0x51: {  	_ =	shalt  }
0x52: {  	_ =	shalt  }
0x53: {  	_ =	shalt  }
0x54: {  	_ =	shalt  }
0x55: {  	_ =	shalt  }
0x56: {  	_ =	shalt  }
0x57: {  	_ =	shalt  }
0x58: {  	_ =	shalt  }
0x59: {  	_ =	shalt  }
0x5a: {  	_ =	shalt  }
0x5b: {  	_ =	shalt  }
0x5c: {  	_ =	shalt  }
0x5d: {  	_ =	shalt  }
0x5e: {  	_ =	shalt  }
0x5f: {  	_ =	shalt  }
0x60: {  	_ =	shalt  }
0x61: {  	_ =	shalt  }
0x62: {  	_ =	shalt  }
0x63: {  	_ =	shalt  }
0x64: {  	_ =	shalt  }
0x65: {  	_ =	shalt  }
0x66: {  	_ =	shalt  }
0x67: {  	_ =	shalt  }
0x68: {  	_ =	shalt  }
0x69: {  	_ =	shalt  }
0x6a: {  	_ =	shalt  }
0x6b: {  	_ =	shalt  }
0x6c: {  	_ =	shalt  }
0x6d: {  	_ =	shalt  }
0x6e: {  	_ =	shalt  }
0x6f: {  	_ =	shalt  }
0x70: {  	_ =	shalt  }
0x71: {  	_ =	shalt  }
0x72: {  	_ =	shalt  }
0x73: {  	_ =	shalt  }
0x74: {  	_ =	shalt  }
0x75: {  	_ =	shalt  }
0x76: {  	_ =	shalt  }
0x77: {  	_ =	shalt  }
0x78: {  	_ =	shalt  }
0x79: {  	_ =	shalt  }
0x7a: {  	_ =	shalt  }
0x7b: {  	_ =	shalt  }
0x7c: {  	_ =	shalt  }
0x7d: {  	_ =	shalt  }
0x7e: {  	_ =	shalt  }
0x7f: {  	_ =	shalt  }
0x80: {  	_ =	shalt  }
0x81: {  	_ =	shalt  }
0x82: {  	_ =	shalt  }
0x83: {  	_ =	shalt  }
0x84: {  	_ =	shalt  }
0x85: {  	_ =	shalt  }
0x86: {  	_ =	shalt  }
0x87: {  	_ =	shalt  }
.Lfunc_end0:
.L_simem_size_0:
called_computation.1_lowered:
.L_overlay_start_0:
0x88: {  	s2 =	sld [smem:$0x3FD9]  }
0x89: {  	s3 =	sld [smem:$0x3FFE];
	_ =	sdelay $0x1  }
0x8a: {  	s1 =	srdreg.scid  }
0x8b: {  	s0 =	sand.u32 $0x1, s1  }
0x8c: {  	s17 =	sshll.u32 s0, $0xA;
	s2 =	sadd.s32 s3, s2  }
0x8d: {  	s2 =	sadd.s32 s2, s17  }
0x8e: {  	[smem:$0x3FC6] =	sst s2  }
0x8f: {  	_ = 	snop  }
0x90: {  	s2 =	sld [smem:$0x3FD0];
	(tm) =	ssettm $0x1  }
0x91: {  	s18 =	sld [smem:$0x3FFB];
	_ =	sdelay $0x3  }
0x92: {  	_ =	strace s18  }
0x93: {  	s3 =	sld [smem:$0x3FFC];
	_ =	sdelay $0x3  }
0x94: {  	_ =	strace s3  }
0x95: {  	s3 =	sld [smem:$0x3FFD];
	_ =	sdelay $0x3  }
0x96: {  	_ =	strace s3  }
0x97: {  	_ =	strace $0x8FFFFFFF  }
0x98: {  	s19 =	sld [smem:$0x3FDB];
	_ =	sdelay $0x1  }
0x99: {  	s4 =	simm.s32 $_scs_section_size  }
0x9a: {  	s5 =	simm.s32 $_size__tile_overlayer_lowered;
	s6 =	simm.s32 $_tile_overlayer_lowered  }
0x9b: {  	s22 =	simm.s32 $0x1BFF;
	s21 =	sshll.u32 s6, $0x1;
	s3 =	sadd.s32 s4, s19  }
0x9c: {  	s7 =	simm.s32 $0x0;
	s20 =	sshll.u32 s5, $0x1;
	s5 =	sadd.s32 s21, s3  }
0x9d: {  	[timem:s7], [sflag:s22] =	dma.local [hbm:s5], s20  }
0x9e: {  	_ =	swait.ge [sflag:s22], s20  }
0x9f: {  	s4 =	ssub.s32 $0x0, s20;
	[sflag:s22] =	ssyncset.done $0x0  }
0xa0: {  	[sflag:s22] =	ssyncadd.s32 s4;
	_ =	sdelay $0x1  }
0xa1: {  	s23 =	simm.s32 $0x1B8B  }
0xa2: {  	_ =	swait.ge [sflag:s23], $0x1  }
0xa3: {  	[sflag:s23] =	ssyncset.done $0x0  }
0xa4: {  	s25 =	simm.s32 $0x1B8E;
	s24 =	sld [smem:$0x3FFE];
	[sflag:s23] =	ssyncadd.s32 $0xFFFFFFFF  }
0xa5: {  	s26 =	simm.s32 $execute0_lowered;
	[smem:$0x3FD2] =	sst s25  }
0xa6: {  	s5 =	sshll.u32 s26, $0x1;
	_ =	strace $0x80000046;
	[dreg:$0x1] =	wrdreg $0xFFFFFFFF  }
0xa7: {  	s28 =	simm.s32 $_size_execute0_lowered;
	s3 =	sadd.s32 s3, s5;
	[dreg:$0x0] =	wrdreg $0x0  }
0xa8: {  	s5 =	sshll.u32 s28, $0x1;
	[dreg:$0x2] =	wrdreg s3  }
0xa9: {  	[dreg:$0x3] =	wrdreg s5  }
0xaa: {  	[dreg:$0x4] =	wrdreg $0xC0  }
0xab: {  	_ =	task [dreg:s7], $0x5FFFF  }
0xac: {  	[dreg:$0x1] =	wrdreg $0xFFFFFFFF  }
0xad: {  	[dreg:$0x0] =	wrdreg $0x60  }
0xae: {  	[dreg:$0x2] =	wrdreg s24  }
0xaf: {  	[dreg:$0x3] =	wrdreg s2  }
0xb0: {  	[dreg:$0x4] =	wrdreg $0x9  }
0xb1: {  	_ =	task.clear_ibuf [dreg:s7], $0x5FFFF;
	_ =	strace $0x90000046  }
0xb2: {  	s29 =	simm.s32 $0x9;
	_ =	strace $0x80000048  }
0xb3: {  	_ =	swait.ge [sflag:s29], $0x1  }
0xb4: {  	[sflag:s29] =	ssyncadd.s32 $0xFFFFFFFF  }
0xb5: {  	_ =	strace $0x90000048  }
0xb6: {  	_ =	sfence  }
0xb7: {  	s30 =	sld [smem:$0x0];
	_ =	sdelay $0x2  }
0xb8: {  	s31 =	sshll.u32 s1, $0xD;
	s1 =	sshrl.u32 s1, $0x2  }
0xb9: {  	s3 =	sand.u32 $0x4000, s31;
	s1 =	sadd.s32 s1, s30  }
0xba: {  	s0 =	sor.u32 s3, s0;
	s1 =	sshll.u32 s1, $0x11  }
0xbb: {  	s0 =	sor.u32 s1, s0  }
0xbc: {  	s0 =	sadd.s32 $0x8F2B, s0  }
0xbd: {  	[sflag:s0] =	ssyncadd.remote.s32 $0x1  }
0xbe: {  	_ =	sfence.sel $0xFFFF  }
0xbf: {  	[dreg:$0x0] =	wrdreg $0xFFFFFFFF;
	(pc) =	sbr.abs _section_cstart, $3  }
0xc0: {  	[dreg:$0x1] =	wrdreg $0xFFFFFFFF  }
0xc1: {  	_ =	task.clear_ibuf [dreg:s7], $0x2FFFF;
	_ =	strace $0x9FFFFFFF  }
0xc2: {  	(tm) =	ssettm $0x7FFFFFFF  }
0xc3: {  	_ =	shalt  }
tec
execute0_lowered:
.L_overlay_start_1:
0x0: {  	(tag) =	ssettag $0x1  }
0x1: {  	s4 =	rddreg [dreg:$0x0];
	s1 =	srdreg.scid  }
0x2: {  	s0 =	stileid.u32;
	s2 =	rddreg [dreg:$0x1];
	s3 =	simm.s32 $0x0  }
0x3: {  	s9 =	simm.s32 $0x80;
	s10 =	simm.s32 $0x6400;
	s11 =	simm.s32 $0x48  }
0x4: {  	s12 =	simm.s32 $0x8400;
	s13 =	simm.s32 $0xC8;
	s14 =	simm.s32 $0x9600  }
0x5: {  	s15 =	simm.s32 $0x148;
	s16 =	simm.s32 $0xB600;
	s17 =	simm.s32 $0x1  }
0x6: {  	s18 =	simm.s32 $0x2;
	s19 =	simm.s32 $0x3;
	s20 =	simm.s32 $0x4  }
0x7: {  	s21 =	simm.s32 $0x0;
	s5 =	sand.u32 $0x1, s1;
	s6 =	sshll.u32 s0, $0x1  }
.Ltmp0:
0x8: {  	s6 =	sor.u32 s5, s6;
	s5 =	ssub.s32 $0x2, s5;
	(pc) =	sbr.rel .LBB2_1-.Ltmp0, $4  }
0x9: {  	[smem:$0x7FF] =	sst s3;
	s7 =	smul.u32 $0xC80, s6;
	s8 =	sshrl.u32 s5, $0x1  }
0xa: {  	s1 =	rddreg [dreg:$0x2];
	_ =	strace $0x80000047;
	s8 =	ssub.s32 s5, s8  }
0xb: {  	s5 =	sshll.u32 s6, $0x7;
	s7 =	sadd.s32 s7, s4;
	s4 =	sadd.s32 $0xF42E00, s4  }
0xc: {  	s6 =	sadd.s32 $0xA00, s7;
	s7 =	smax.u32 s8, $0x1;
	s8 =	simm.s32 $0x5  }
.LBB2_8:
0xd: {  	s21 =	sadd.s32 $0x1, s21  }
0xe: {  	p0 =	sne.s32 s21, s7  }
.Ltmp1:
0xf: {  	_ = 	snop;
	(pc) =	sbr.rel @!p0 .LBB2_9-.Ltmp1, $4  }
0x10: {  	_ = 	snop  }
0x11: {  	_ =	swait.ge [sflag:s20], $0x3200  }
0x12: {  	[sflag:s20] =	ssyncset.done $0x0  }
0x13: {  	[sflag:s20] =	ssyncadd.s32 $0xFFFFCE00  }
.LBB2_1:
0x14: {  	[tilespmem:s3], [sflag:$0x5] =	stream.linear.gather [hbm4b:s6+s3], $0x6400, $0x38;
	[tilespmem:$0xC800] =	vst v63  }
0x15: {  	_ =	swait.ge [sflag:s8], $0x6400  }
0x16: {  	[sflag:s8] =	ssyncset.done $0x0  }
0x17: {  	[sflag:s8] =	ssyncadd.s32 $0xFFFF9C00  }
0x18: {  	[tilespmem:s10], [sflag:$0x1] =	stream.indirect.gather [hbm4b:s4+s9], $0x40, s3, s9, $0xb8;
	[tilespmem:$0xC800] =	vst v63  }
0x19: {  	_ = 	snop  }
0x1a: {  	[tilespmem:s12], [sflag:$0x1] =	stream.indirect.gather [hbm4b:s4+s11], $0x40, s9, s11, $0xb8;
	[tilespmem:$0xC800] =	vst v63  }
0x1b: {  	_ = 	snop  }
0x1c: {  	[tilespmem:s14], [sflag:$0x2] =	stream.indirect.gather [hbm4b:s4+s9], $0x40, s13, s9, $0xb8;
	[tilespmem:$0xC800] =	vst v63  }
0x1d: {  	s22 =	simm.s32 $0x0  }
0x1e: {  	[tilespmem:s16], [sflag:$0x2] =	stream.indirect.gather [hbm4b:s4+s11], $0x40, s15, s11, $0xb8;
	[tilespmem:$0xC800] =	vst v63  }
.LBB2_2:
0x1f: {  	_ =	swait.ge [sflag:s17], $0x2000  }
0x20: {  	[sflag:s17] =	ssyncset.done $0x0  }
0x21: {  	[sflag:s17] =	ssyncadd.s32 $0xFFFFE000  }
0x22: {  	_ =	swait.ge [sflag:s17], $0x1200  }
0x23: {  	[sflag:s17] =	ssyncset.done $0x0  }
0x24: {  	s24 =	simm.s32 $0x6480;
	[sflag:s17] =	ssyncadd.s32 $0xFFFFEE00  }
0x25: {  	v0 =	vld [tilespmem:s24+$0x70]  }
0x26: {  	v1 =	vld [tilespmem:s24+$0xFFFFFF90]  }
0x27: {  	v2 =	vld [tilespmem:s24+$0xFFFFFFA0]  }
0x28: {  	v3 =	vld [tilespmem:s24+$0xFFFFFFB0]  }
0x29: {  	v4 =	vld [tilespmem:s24+$0xFFFFFFC0]  }
0x2a: {  	v5 =	vld [tilespmem:s24+$0xFFFFFFD0];
	v0 =	vmul.f32 $8.000000000e+00, v0  }
0x2b: {  	v6 =	vld [tilespmem:s24+$0xFFFFFFE0];
	v1 =	vmul.f32 $8.000000000e+00, v1  }
0x2c: {  	v7 =	vld [tilespmem:s24+$0xFFFFFFF0];
	v2 =	vmul.f32 $8.000000000e+00, v2;
	[tilespmem:s24+$0x70] =	vst v0  }
0x2d: {  	[tilespmem:s24+$0xFFFFFF90] =	vst v1;
	v0 =	vmul.f32 $8.000000000e+00, v3;
	v3 =	vld [tilespmem:s24+$0x0]  }
0x2e: {  	v8 =	vld [tilespmem:s24+$0x10];
	[tilespmem:s24+$0xFFFFFFA0] =	vst v2;
	v1 =	vmul.f32 $8.000000000e+00, v4  }
0x2f: {  	v9 =	vld [tilespmem:s24+$0x20];
	v2 =	vmul.f32 $8.000000000e+00, v5;
	[tilespmem:s24+$0xFFFFFFB0] =	vst v0  }
0x30: {  	v4 =	vmul.f32 $8.000000000e+00, v6;
	[tilespmem:s24+$0xFFFFFFC0] =	vst v1;
	v0 =	vld [tilespmem:s24+$0x30]  }
0x31: {  	[tilespmem:s24+$0xFFFFFFD0] =	vst v2;
	v2 =	vmul.f32 $8.000000000e+00, v7;
	v1 =	vld [tilespmem:s24+$0x40]  }
0x32: {  	[tilespmem:s24+$0xFFFFFFE0] =	vst v4;
	v4 =	vld [tilespmem:s24+$0x50];
	v6 =	vmul.f32 $8.000000000e+00, v3  }
0x33: {  	v5 =	vmul.f32 $8.000000000e+00, v8;
	[tilespmem:s24+$0xFFFFFFF0] =	vst v2;
	v2 =	vld [tilespmem:s24+$0x60]  }
0x34: {  	s23 =	simm.s32 $0x0;
	s25 =	simm.s32 $0x6580;
	v3 =	vld [tilespmem:s24+$0xFFFFFF80];
	[tilespmem:s24+$0x0] =	vst v6;
	v6 =	vmul.f32 $8.000000000e+00, v9  }
.LBB2_3:
0x35: {  	v7 =	vld [tilespmem:s25+$0x70];
	s23 =	sadd.s32 $0x4, s23;
	[tilespmem:s24+$0x10] =	vst v5;
	v0 =	vmul.f32 $8.000000000e+00, v0  }
0x36: {  	v5 =	vld [tilespmem:s25+$0xFFFFFF90];
	p0 =	slt.u32 s23, $0xC4;
	[tilespmem:s24+$0x20] =	vst v6;
	v1 =	vmul.f32 $8.000000000e+00, v1  }
0x37: {  	v6 =	vld [tilespmem:s25+$0xFFFFFFA0];
	[tilespmem:s24+$0x30] =	vst v0;
	v0 =	vmul.f32 $8.000000000e+00, v4  }
0x38: {  	v4 =	vld [tilespmem:s25+$0xFFFFFFB0];
	[tilespmem:s24+$0x40] =	vst v1;
	v1 =	vmul.f32 $8.000000000e+00, v2  }
0x39: {  	v2 =	vld [tilespmem:s25+$0xFFFFFFC0];
	v3 =	vmul.f32 $8.000000000e+00, v3;
	[tilespmem:s24+$0x50] =	vst v0  }
0x3a: {  	v0 =	vld [tilespmem:s25+$0xFFFFFFD0];
	v7 =	vmul.f32 $8.000000000e+00, v7;
	[tilespmem:s24+$0x60] =	vst v1  }
0x3b: {  	v1 =	vmul.f32 $8.000000000e+00, v5;
	v5 =	vld [tilespmem:s25+$0xFFFFFFE0];
	[tilespmem:s24+$0xFFFFFF80] =	vst v3;
	s24 =	smov.u32 s25  }
0x3c: {  	v3 =	vmul.f32 $8.000000000e+00, v6;
	v6 =	vld [tilespmem:s25+$0xFFFFFFF0];
	[tilespmem:s25+$0x70] =	vst v7  }
0x3d: {  	[tilespmem:s25+$0xFFFFFF90] =	vst v1;
	v1 =	vmul.f32 $8.000000000e+00, v4;
	v4 =	vld [tilespmem:s25+$0x0]  }
0x3e: {  	[tilespmem:s25+$0xFFFFFFA0] =	vst v3;
	v2 =	vmul.f32 $8.000000000e+00, v2;
	v3 =	vld [tilespmem:s25+$0x10]  }
0x3f: {  	[tilespmem:s25+$0xFFFFFFB0] =	vst v1;
	v1 =	vmul.f32 $8.000000000e+00, v0;
	v7 =	vld [tilespmem:s25+$0x20]  }
.Ltmp2:
0x40: {  	[tilespmem:s25+$0xFFFFFFC0] =	vst v2;
	v2 =	vmul.f32 $8.000000000e+00, v5;
	v0 =	vld [tilespmem:s25+$0x30];
	(pc) =	sbr.rel @p0 .LBB2_3-.Ltmp2, $4  }
0x41: {  	[tilespmem:s25+$0xFFFFFFD0] =	vst v1;
	v5 =	vmul.f32 $8.000000000e+00, v6;
	v1 =	vld [tilespmem:s25+$0x40]  }
0x42: {  	[tilespmem:s25+$0xFFFFFFE0] =	vst v2;
	v6 =	vmul.f32 $8.000000000e+00, v4;
	v4 =	vld [tilespmem:s25+$0x50]  }
0x43: {  	[tilespmem:s25+$0xFFFFFFF0] =	vst v5;
	v5 =	vmul.f32 $8.000000000e+00, v3;
	v2 =	vld [tilespmem:s25+$0x60]  }
0x44: {  	s25 =	sadd.s32 $0x100, s25;
	v3 =	vld [tilespmem:s24+$0xFFFFFF80];
	[tilespmem:s24+$0x0] =	vst v6;
	v6 =	vmul.f32 $8.000000000e+00, v7  }
0x45: {  	[tilespmem:s24+$0x10] =	vst v5;
	v0 =	vmul.f32 $8.000000000e+00, v0  }
0x46: {  	[tilespmem:s24+$0x20] =	vst v6;
	v1 =	vmul.f32 $8.000000000e+00, v1  }
0x47: {  	s23 =	sshll.u32 s22, $0x1;
	[tilespmem:s24+$0x30] =	vst v0;
	v0 =	vmul.f32 $8.000000000e+00, v4  }
0x48: {  	s25 =	sadd.s32 s5, s23;
	[tilespmem:s24+$0x40] =	vst v1;
	v1 =	vmul.f32 $8.000000000e+00, v2  }
0x49: {  	s25 =	smul.u32 $0x640, s25;
	v2 =	vmul.f32 $8.000000000e+00, v3;
	[tilespmem:s24+$0x50] =	vst v0  }
0x4a: {  	[tilespmem:s24+$0x60] =	vst v1  }
0x4b: {  	s31 =	sadd.s32 s2, s25;
	[tilespmem:s24+$0xFFFFFF80] =	vst v2  }
0x4c: {  	[hbm4b:s31+s3] =	stream.linear.scatter [tilespmem:s10], [sflag:$0x3], $0x3200, $0x38;
	[tilespmem:$0xC800] =	vst v63  }
0x4d: {  	_ =	swait.ge [sflag:s18], $0x2000  }
0x4e: {  	[sflag:s18] =	ssyncset.done $0x0  }
0x4f: {  	[sflag:s18] =	ssyncadd.s32 $0xFFFFE000  }
0x50: {  	_ =	swait.ge [sflag:s18], $0x1200  }
0x51: {  	[sflag:s18] =	ssyncset.done $0x0  }
0x52: {  	s24 =	simm.s32 $0x96F0;
	[sflag:s18] =	ssyncadd.s32 $0xFFFFEE00  }
0x53: {  	v0 =	vld [tilespmem:s24+$0x0]  }
0x54: {  	v1 =	vld [tilespmem:s24+$0xFFFFFF20]  }
0x55: {  	v2 =	vld [tilespmem:s24+$0xFFFFFF30]  }
0x56: {  	v3 =	vld [tilespmem:s24+$0xFFFFFF40]  }
0x57: {  	v4 =	vld [tilespmem:s24+$0xFFFFFF50]  }
0x58: {  	v5 =	vld [tilespmem:s24+$0xFFFFFF60];
	v0 =	vmul.f32 $8.000000000e+00, v0  }
0x59: {  	v6 =	vld [tilespmem:s24+$0xFFFFFF70];
	v1 =	vmul.f32 $8.000000000e+00, v1  }
0x5a: {  	v7 =	vld [tilespmem:s24+$0xFFFFFF80];
	v2 =	vmul.f32 $8.000000000e+00, v2;
	[tilespmem:s24+$0x0] =	vst v0  }
0x5b: {  	[tilespmem:s24+$0xFFFFFF20] =	vst v1;
	v0 =	vmul.f32 $8.000000000e+00, v3;
	v3 =	vld [tilespmem:s24+$0xFFFFFF90]  }
0x5c: {  	v8 =	vld [tilespmem:s24+$0xFFFFFFA0];
	[tilespmem:s24+$0xFFFFFF30] =	vst v2;
	v1 =	vmul.f32 $8.000000000e+00, v4  }
0x5d: {  	v9 =	vld [tilespmem:s24+$0xFFFFFFB0];
	v2 =	vmul.f32 $8.000000000e+00, v5;
	[tilespmem:s24+$0xFFFFFF40] =	vst v0  }
0x5e: {  	v4 =	vmul.f32 $8.000000000e+00, v6;
	[tilespmem:s24+$0xFFFFFF50] =	vst v1;
	v0 =	vld [tilespmem:s24+$0xFFFFFFC0]  }
0x5f: {  	[tilespmem:s24+$0xFFFFFF60] =	vst v2;
	v2 =	vmul.f32 $8.000000000e+00, v7;
	v1 =	vld [tilespmem:s24+$0xFFFFFFD0]  }
0x60: {  	[tilespmem:s24+$0xFFFFFF70] =	vst v4;
	v4 =	vld [tilespmem:s24+$0xFFFFFFE0];
	v6 =	vmul.f32 $8.000000000e+00, v3  }
0x61: {  	v5 =	vmul.f32 $8.000000000e+00, v8;
	[tilespmem:s24+$0xFFFFFF80] =	vst v2;
	v2 =	vld [tilespmem:s24+$0xFFFFFFF0]  }
0x62: {  	s26 =	simm.s32 $0x97F0;
	s25 =	simm.s32 $0x0;
	v3 =	vld [tilespmem:s24+$0xFFFFFF10];
	[tilespmem:s24+$0xFFFFFF90] =	vst v6;
	v6 =	vmul.f32 $8.000000000e+00, v9  }
.LBB2_5:
0x63: {  	v7 =	vld [tilespmem:s26+$0x0];
	s25 =	sadd.s32 $0x4, s25;
	[tilespmem:s24+$0xFFFFFFA0] =	vst v5;
	v0 =	vmul.f32 $8.000000000e+00, v0  }
0x64: {  	v5 =	vld [tilespmem:s26+$0xFFFFFF20];
	p0 =	slt.u32 s25, $0xC4;
	[tilespmem:s24+$0xFFFFFFB0] =	vst v6;
	v1 =	vmul.f32 $8.000000000e+00, v1  }
0x65: {  	v6 =	vld [tilespmem:s26+$0xFFFFFF30];
	[tilespmem:s24+$0xFFFFFFC0] =	vst v0;
	v0 =	vmul.f32 $8.000000000e+00, v4  }
0x66: {  	v4 =	vld [tilespmem:s26+$0xFFFFFF40];
	[tilespmem:s24+$0xFFFFFFD0] =	vst v1;
	v1 =	vmul.f32 $8.000000000e+00, v2  }
0x67: {  	v2 =	vld [tilespmem:s26+$0xFFFFFF50];
	v3 =	vmul.f32 $8.000000000e+00, v3;
	[tilespmem:s24+$0xFFFFFFE0] =	vst v0  }
0x68: {  	v0 =	vld [tilespmem:s26+$0xFFFFFF60];
	v7 =	vmul.f32 $8.000000000e+00, v7;
	[tilespmem:s24+$0xFFFFFFF0] =	vst v1  }
0x69: {  	v1 =	vmul.f32 $8.000000000e+00, v5;
	v5 =	vld [tilespmem:s26+$0xFFFFFF70];
	[tilespmem:s24+$0xFFFFFF10] =	vst v3;
	s24 =	smov.u32 s26  }
0x6a: {  	v3 =	vmul.f32 $8.000000000e+00, v6;
	v6 =	vld [tilespmem:s26+$0xFFFFFF80];
	[tilespmem:s26+$0x0] =	vst v7  }
0x6b: {  	[tilespmem:s26+$0xFFFFFF20] =	vst v1;
	v1 =	vmul.f32 $8.000000000e+00, v4;
	v4 =	vld [tilespmem:s26+$0xFFFFFF90]  }
0x6c: {  	[tilespmem:s26+$0xFFFFFF30] =	vst v3;
	v2 =	vmul.f32 $8.000000000e+00, v2;
	v3 =	vld [tilespmem:s26+$0xFFFFFFA0]  }
0x6d: {  	[tilespmem:s26+$0xFFFFFF40] =	vst v1;
	v1 =	vmul.f32 $8.000000000e+00, v0;
	v7 =	vld [tilespmem:s26+$0xFFFFFFB0]  }
.Ltmp3:
0x6e: {  	[tilespmem:s26+$0xFFFFFF50] =	vst v2;
	v2 =	vmul.f32 $8.000000000e+00, v5;
	v0 =	vld [tilespmem:s26+$0xFFFFFFC0];
	(pc) =	sbr.rel @p0 .LBB2_5-.Ltmp3, $4  }
0x6f: {  	[tilespmem:s26+$0xFFFFFF60] =	vst v1;
	v5 =	vmul.f32 $8.000000000e+00, v6;
	v1 =	vld [tilespmem:s26+$0xFFFFFFD0]  }
0x70: {  	[tilespmem:s26+$0xFFFFFF70] =	vst v2;
	v6 =	vmul.f32 $8.000000000e+00, v4;
	v4 =	vld [tilespmem:s26+$0xFFFFFFE0]  }
0x71: {  	[tilespmem:s26+$0xFFFFFF80] =	vst v5;
	v5 =	vmul.f32 $8.000000000e+00, v3;
	v2 =	vld [tilespmem:s26+$0xFFFFFFF0]  }
0x72: {  	s26 =	sadd.s32 $0x100, s26;
	v3 =	vld [tilespmem:s24+$0xFFFFFF10];
	[tilespmem:s24+$0xFFFFFF90] =	vst v6;
	v6 =	vmul.f32 $8.000000000e+00, v7  }
0x73: {  	[tilespmem:s24+$0xFFFFFFA0] =	vst v5;
	v0 =	vmul.f32 $8.000000000e+00, v0  }
0x74: {  	[tilespmem:s24+$0xFFFFFFB0] =	vst v6;
	v1 =	vmul.f32 $8.000000000e+00, v1  }
0x75: {  	s23 =	sadd.s32 s23, s5;
	[tilespmem:s24+$0xFFFFFFC0] =	vst v0;
	v61 =	vmul.f32 $8.000000000e+00, v4  }
0x76: {  	s23 =	smul.u32 $0x640, s23;
	[tilespmem:s24+$0xFFFFFFD0] =	vst v1;
	v62 =	vmul.f32 $8.000000000e+00, v2  }
0x77: {  	v63 =	vmul.f32 $8.000000000e+00, v3;
	[tilespmem:s24+$0xFFFFFFE0] =	vst v61  }
0x78: {  	p0 =	seq.s32 s22, $0x3F;
	s23 =	sadd.s32 s2, s23;
	[tilespmem:s24+$0xFFFFFFF0] =	vst v62  }
.Ltmp4:
0x79: {  	s23 =	sadd.s32 $0x640, s23;
	[tilespmem:s24+$0xFFFFFF10] =	vst v63;
	(pc) =	sbr.rel @p0 .LBB2_8-.Ltmp4, $4  }
0x7a: {  	[hbm4b:s23+s3] =	stream.linear.scatter [tilespmem:s14], [sflag:$0x4], $0x3200, $0x38;
	[tilespmem:$0xC800] =	vst v63  }
0x7b: {  	_ =	swait.ge [sflag:s19], $0x3200  }
0x7c: {  	[sflag:s19] =	ssyncset.done $0x0  }
0x7d: {  	[sflag:s19] =	ssyncadd.s32 $0xFFFFCE00  }
0x7e: {  	s23 =	smul.u32 $0x640, s22;
	_ =	sdelay $0x1  }
0x7f: {  	s23 =	sshra.s32 s23, $0x2  }
0x80: {  	s24 =	sadd.s32 $0x190, s23  }
0x81: {  	[tilespmem:s10], [sflag:$0x1] =	stream.indirect.gather [hbm4b:s4+s9], $0x40, s24, s9, $0xb8;
	[tilespmem:$0xC800] =	vst v63  }
0x82: {  	s30 =	sadd.s32 $0x210, s23  }
0x83: {  	[tilespmem:s12], [sflag:$0x1] =	stream.indirect.gather [hbm4b:s4+s11], $0x40, s30, s11, $0xb8;
	[tilespmem:$0xC800] =	vst v63  }
0x84: {  	_ =	swait.ge [sflag:s20], $0x3200  }
.Ltmp5:
0x85: {  	[sflag:s20] =	ssyncset.done $0x0;
	(pc) =	sbr.rel .LBB2_2-.Ltmp5, $4  }
0x86: {  	s31 =	sadd.s32 $0x258, s23;
	[sflag:s20] =	ssyncadd.s32 $0xFFFFCE00  }
0x87: {  	[tilespmem:s14], [sflag:$0x2] =	stream.indirect.gather [hbm4b:s4+s9], $0x40, s31, s9, $0xb8;
	[tilespmem:$0xC800] =	vst v63  }
0x88: {  	s22 =	sadd.s32 $0x1, s22;
	s23 =	sadd.s32 $0x2D8, s23  }
0x89: {  	[tilespmem:s16], [sflag:$0x2] =	stream.indirect.gather [hbm4b:s4+s11], $0x40, s23, s11, $0xb8;
	[tilespmem:$0xC800] =	vst v63  }
.LBB2_9:
0x8a: {  	_ =	sfence.sel $0x180000  }
0x8b: {  	[bflag:$0x0] =	sbarrier.arrive $0xFFFF  }
0x8c: {  	p0 =	sne.s32 s0, $0x0;
	_ =	strace $0x90000047  }
0x8d: {  	s0 =	sadd.s32 @!p0 $0x100000, s1;
	[bflag:$0x2] =	sbarrier.arrive $0xFFFF  }
0x8e: {  	[sflag:s0] =	ssyncadd.tile.s32 @!p0 $0x1;
	_ =	shalt  }
.Lfunc_end2:
_tile_overlayer_lowered:
.L_overlay_start_2:
0x8f: {  	(tag) =	ssettag $0x2  }
0x90: {  	s0 =	rddreg [dreg:$0x0];
	s2 =	stileid.u32  }
0x91: {  	s1 =	rddreg [dreg:$0x1];
	p0 =	sne.s32 s2, $0x0  }
0x92: {  	s3 =	rddreg [dreg:$0x2];
	[bflag:$0x3] =	sbarrier.arrive $0xFFFF;
	s2 =	simm.s32 @!p0 $0x1C05  }
0x93: {  	[timem:s3], [sflag:s2] =	dma.local @!p0 [hbm:s0], s1  }
0x94: {  	s0 =	simm.s32 @!p0 $0x5  }
0x95: {  	_ =	swait.ge @!p0 [sflag:s0], s1  }
0x96: {  	s1 =	ssub.s32 @!p0 $0x0, s1;
	[sflag:s0] =	ssyncset.done @!p0 $0x0  }
0x97: {  	[sflag:s0] =	ssyncadd.s32 @!p0 s1  }
0x98: {  	[bflag:$0x3] =	sbarrier.arrive $0xFFFF  }
0x99: {  	_ =	shalt  }

// kernel: sparse-core-data-format-call.cloned.1.call-start
scs
called_computation_lowered:
.L_overlay_start_0:
0x0: {  	s2 =	sld [smem:$0x3FD9]  }
0x1: {  	s3 =	sld [smem:$0x3FFE];
	_ =	sdelay $0x1  }
0x2: {  	s1 =	srdreg.scid  }
0x3: {  	s0 =	sand.u32 $0x1, s1  }
0x4: {  	s18 =	sshll.u32 s0, $0xA;
	s2 =	sadd.s32 s3, s2  }
0x5: {  	s2 =	sadd.s32 s2, s18  }
0x6: {  	[smem:$0x3FC6] =	sst s2  }
0x7: {  	_ = 	snop  }
0x8: {  	s2 =	sld [smem:$0x3FD0];
	(tm) =	ssettm $0x1  }
0x9: {  	s19 =	sld [smem:$0x3FFB];
	_ =	sdelay $0x3  }
0xa: {  	_ =	strace s19  }
0xb: {  	s3 =	sld [smem:$0x3FFC];
	_ =	sdelay $0x3  }
0xc: {  	_ =	strace s3  }
0xd: {  	s3 =	sld [smem:$0x3FFD];
	_ =	sdelay $0x3  }
0xe: {  	_ =	strace s3  }
0xf: {  	_ =	strace $0x8FFFFFFF  }
0x10: {  	s20 =	sld [smem:$0x3FDB];
	_ =	sdelay $0x1  }
0x11: {  	s4 =	simm.s32 $_scs_section_size  }
0x12: {  	s5 =	simm.s32 $_size__tile_overlayer_lowered;
	s6 =	simm.s32 $_tile_overlayer_lowered  }
0x13: {  	s23 =	simm.s32 $0x1BFF;
	s22 =	sshll.u32 s6, $0x1;
	s3 =	sadd.s32 s4, s20  }
0x14: {  	s7 =	simm.s32 $0x0;
	s21 =	sshll.u32 s5, $0x1;
	s5 =	sadd.s32 s22, s3  }
0x15: {  	[timem:s7], [sflag:s23] =	dma.local [hbm:s5], s21  }
0x16: {  	_ =	swait.ge [sflag:s23], s21  }
0x17: {  	s4 =	ssub.s32 $0x0, s21;
	[sflag:s23] =	ssyncset.done $0x0  }
0x18: {  	[sflag:s23] =	ssyncadd.s32 s4;
	_ =	sdelay $0x1  }
0x19: {  	s24 =	simm.s32 $0x1B8B  }
0x1a: {  	_ =	swait.ge [sflag:s24], $0x1  }
0x1b: {  	[sflag:s24] =	ssyncset.done $0x0  }
0x1c: {  	s26 =	simm.s32 $0x1B8E;
	s25 =	sld [smem:$0x3FFE];
	[sflag:s24] =	ssyncadd.s32 $0xFFFFFFFF  }
0x1d: {  	s27 =	simm.s32 $execute0_lowered;
	[smem:$0x3FD2] =	sst s26  }
0x1e: {  	s5 =	sshll.u32 s27, $0x1;
	_ =	strace $0x80000049;
	[dreg:$0x1] =	wrdreg $0xFFFFFFFF  }
0x1f: {  	s28 =	simm.s32 $_size_execute0_lowered;
	s3 =	sadd.s32 s3, s5;
	[dreg:$0x0] =	wrdreg $0x0  }
0x20: {  	s5 =	sshll.u32 s28, $0x1;
	[dreg:$0x2] =	wrdreg s3  }
0x21: {  	[dreg:$0x3] =	wrdreg s5  }
0x22: {  	[dreg:$0x4] =	wrdreg $0xC0  }
0x23: {  	_ =	task [dreg:s7], $0x5FFFF  }
0x24: {  	[dreg:$0x1] =	wrdreg $0xFFFFFFFF  }
0x25: {  	[dreg:$0x0] =	wrdreg $0x60  }
0x26: {  	[dreg:$0x2] =	wrdreg s25  }
0x27: {  	[dreg:$0x3] =	wrdreg s2  }
0x28: {  	[dreg:$0x4] =	wrdreg $0x9  }
0x29: {  	_ =	task.clear_ibuf [dreg:s7], $0x5FFFF;
	_ =	strace $0x90000049  }
0x2a: {  	s29 =	simm.s32 $0x9;
	_ =	strace $0x8000004B  }
0x2b: {  	_ =	swait.ge [sflag:s29], $0x1  }
0x2c: {  	[sflag:s29] =	ssyncadd.s32 $0xFFFFFFFF  }
0x2d: {  	_ =	strace $0x9000004B  }
0x2e: {  	_ =	sfence  }
0x2f: {  	s30 =	sld [smem:$0x0];
	_ =	sdelay $0x2  }
0x30: {  	s31 =	sshll.u32 s1, $0xD;
	s1 =	sshrl.u32 s1, $0x2  }
0x31: {  	s3 =	sand.u32 $0x4000, s31;
	s1 =	sadd.s32 s1, s30  }
0x32: {  	s0 =	sor.u32 s3, s0;
	s1 =	sshll.u32 s1, $0x11  }
0x33: {  	s0 =	sor.u32 s1, s0  }
0x34: {  	s0 =	sadd.s32 $0x8F2B, s0  }
0x35: {  	[sflag:s0] =	ssyncadd.remote.s32 $0x1  }
0x36: {  	_ =	sfence.sel $0xFFFF  }
0x37: {  	[dreg:$0x0] =	wrdreg $0xFFFFFFFF;
	(pc) =	sbr.abs _section_cstart, $3  }
0x38: {  	[dreg:$0x1] =	wrdreg $0xFFFFFFFF  }
0x39: {  	_ =	task.clear_ibuf [dreg:s7], $0x2FFFF;
	_ =	strace $0x9FFFFFFF  }
0x3a: {  	(tm) =	ssettm $0x7FFFFFFF  }
0x3b: {  	_ =	shalt  }
tec
execute0_lowered:
.L_overlay_start_1:
0x0: {  	(tag) =	ssettag $0x1  }
0x1: {  	s0 =	srdreg.scid  }
0x2: {  	s1 =	sshll.u32 s0, $0x4  }
0x3: {  	s0 =	stileid.u32;
	s1 =	sand.u32 $0x10, s1  }
0x4: {  	s1 =	sor.u32 s0, s1  }
0x5: {  	s6 =	rddreg [dreg:$0x0];
	s4 =	simm.s32 $0x1;
	s2 =	sshll.u32 s1, $0x7  }
0x6: {  	s7 =	simm.s32 $0x2;
	s12 =	simm.s32 $0x0;
	s1 =	ssub.s32 $0x1000, s2  }
0x7: {  	s8 =	simm.s32 $0x8000;
	s13 =	simm.s32 $0x0;
	s3 =	sand.u32 $0xF80, s1  }
0x8: {  	s9 =	simm.s32 $0x0;
	s5 =	sshrl.u32 s1, $0xC;
	p0 =	sne.s32 s3, $0x0  }
.Ltmp0:
0x9: {  	s1 =	rddreg [dreg:$0x2];
	s4 =	simm.s32 @!p0 $0x0;
	(pc) =	sbr.rel .LBB1_1-.Ltmp0, $4  }
0xa: {  	s11 =	simm.s32 $0x0;
	s3 =	rddreg [dreg:$0x1];
	s5 =	sadd.s32 s4, s5  }
0xb: {  	_ =	strace $0x8000004A;
	s4 =	simm.s32 $0x1;
	s5 =	smul.u32 $0xC8, s5  }
0xc: {  	s6 =	sadd.s32 $0xA00, s6;
	s10 =	smov.u32 s2;
	[sflag:s4] =	ssyncpa.u1 $0x0  }
0xd: {  	p0 =	por $0x0, $0x0;
	[sflag:s7] =	ssyncpa.u1 $0x0;
	s7 =	sor.u32 $0x1, s5  }
.LBB1_4:
0xe: {  	s16 =	sshll.u32 s13, $0x3;
	s17 =	sand.u32 $0x78, s13  }
0xf: {  	s30 =	sand.u32 $0x7E00, s13;
	s12 =	sshll.u32 s12, $0xF;
	s16 =	sand.u32 $0xC00, s16  }
0x10: {  	[tilespmem:s15+$0x810 ss:$0x81] =	vst.msk $0xffff, v2;
	s31 =	sand.u32 $0x7, s13;
	s16 =	sor.u32 s17, s16;
	s17 =	sadd.s32 s3, s30  }
0x11: {  	[tilespmem:s15+$0x1020 ss:$0x81] =	vst.msk $0xffff, v0;
	s13 =	sshll.u32 s31, $0x12;
	s12 =	sadd.s32 s12, s17;
	s16 =	sshrl.u32 s16, $0x3  }
0x12: {  	[tilespmem:s15+$0x0 ss:$0x81] =	vst.msk $0xffff, v1;
	s13 =	sor.u32 $0x400, s13;
	s12 =	sadd.s32 s16, s12  }
0x13: {  	[hbm4b:s12+s13] =	stream.strided.scatter [tilespmem:s14], [sflag:$0x2], $0x2000, s8, s13, $0x20;
	[tilespmem:$0x8080] =	vst v63  }
.LBB1_5:
0x14: {  	s14 =	sadd.s32 $0x1, s9  }
0x15: {  	s12 =	sadd.s32 $0x1000, s10;
	s16 =	smov.u32 s10;
	p2 =	sgt.s32 s14, $0xC7  }
0x16: {  	s16 =	smov.u32 @p2 s12  }
0x17: {  	s14 =	simm.s32 @p2 $0x0;
	p2 =	sgt.s32 s16, $0xFFF  }
0x18: {  	s16 =	smov.u32 @p2 s2;
	p2 =	sne.s32 s11, s7  }
.Ltmp1:
0x19: {  	p1 =	slt.u32 s11, $0x2;
	(pc) =	sbr.rel @!p2 .LBB1_6-.Ltmp1, $4  }
0x1a: {  	s15 =	simm.s32 @!p1 $0x2  }
0x1b: {  	s13 =	smov.u32 s10;
	p0 =	por !p0, !p0;
	_ =	swait.ge @!p1 [sflag:s15], $0x2000  }
0x1c: {  	s12 =	smov.u32 s9;
	[sflag:s15] =	ssyncset.done @!p1 $0x0;
	s9 =	smov.u32 s14  }
0x1d: {  	s11 =	sadd.s32 $0x1, s11;
	[sflag:s15] =	ssyncadd.s32 @!p1 $0xFFFFE000;
	s10 =	smov.u32 s16  }
.LBB1_1:
0x1e: {  	p1 =	sge.u32 s11, s5  }
0x1f: {  	s14 =	sand.u32 @!p1 $0x1FFFFFF, s9  }
0x20: {  	s15 =	smulhi.u32 @!p1 $0x147AE15, s14;
	_ =	sdelay $0x1  }
0x21: {  	s15 =	smul.u32 @!p1 $0xC8, s15  }
0x22: {  	s16 =	sxor.u32 @!p1 $0xFFFFFFFF, s11;
	s17 =	smul.u32 @!p1 $0xC80, s10  }
0x23: {  	s31 =	sadd.s32 $0xFFFFFFFF, s11;
	s16 =	sshll.u32 @!p1 s16, $0xD;
	s14 =	ssub.s32 @!p1 s14, s15  }
0x24: {  	s15 =	sand.u32 @!p1 $0x2000, s16;
	s16 =	sadd.s32 @!p1 s6, s17;
	s14 =	sshll.u32 @!p1 s14, $0x4  }
0x25: {  	s17 =	simm.s32 @!p1 $0x6400;
	s14 =	sadd.s32 @!p1 s14, s16;
	s16 =	simm.s32 @!p1 $0x40  }
0x26: {  	[tilespmem:s15], [sflag:$0x1] =	stream.strided.gather @!p1 [hbm4b:s14+s16], $0x2000, s17, s16, $0x38;
	[tilespmem:$0x8080] =	vst v63  }
0x27: {  	p1 =	sge.u32 s31, s5  }
.Ltmp2:
0x28: {  	_ = 	snop;
	(pc) =	sbr.rel @p1 .LBB1_5-.Ltmp2, $1  }
0x29: {  	_ =	sdelay $0x3  }
0x2a: {  	s14 =	simm.s32 $0x1  }
0x2b: {  	_ =	swait.ge [sflag:s4], $0x2000;
	s14 =	simm.s32 @!p0 $0x0  }
0x2c: {  	[sflag:s4] =	ssyncset.done $0x0;
	s15 =	sshll.u32 s14, $0xD  }
0x2d: {  	[sflag:s4] =	ssyncadd.s32 $0xFFFFE000;
	s18 =	sor.u32 $0x20, s15  }
0x2e: {  	s14 =	smul.u32 $0x8100, s14;
	v3 =	vld [tilespmem:s18+$0x10]  }
0x2f: {  	s30 =	sand.u32 $0x1, s11;
	v2 =	vld [tilespmem:s18+$0xFFFFFFF0]  }
0x30: {  	s15 =	smul.u32 $0x8100, s30;
	s14 =	sshrl.u32 s14, $0x2;
	v0 =	vld [tilespmem:s18+$0x0]  }
0x31: {  	v1 =	vld [tilespmem:s18+$0xFFFFFFE0];
	s16 =	sor.u32 $0x4000, s14  }
0x32: {  	s31 =	sshrl.u32 s15, $0x2;
	s15 =	sadd.s32 $0x0, s16  }
0x33: {  	s17 =	simm.s32 $0x4;
	s18 =	sadd.s32 $0x40, s18;
	s14 =	sor.u32 $0x4000, s31;
	[tilespmem:s15+$0x1830 ss:$0x81] =	vst.msk $0xffff, v3  }
.LBB1_3:
0x34: {  	v3 =	vld [tilespmem:s18+$0x10];
	p1 =	sne.s32 s17, $0x1FC;
	[tilespmem:s15+$0x810 ss:$0x81] =	vst.msk $0xffff, v2;
	s19 =	smov.u32 s17;
	s17 =	sadd.s32 $0x4, s17  }
.Ltmp3:
0x35: {  	v2 =	vld [tilespmem:s18+$0xFFFFFFF0];
	[tilespmem:s15+$0x1020 ss:$0x81] =	vst.msk $0xffff, v0;
	(pc) =	sbr.rel @p1 .LBB1_3-.Ltmp3, $4  }
0x36: {  	v0 =	vld [tilespmem:s18+$0x0];
	[tilespmem:s15+$0x0 ss:$0x81] =	vst.msk $0xffff, v1  }
0x37: {  	s15 =	sshra.s32 s19, $0x2;
	v1 =	vld [tilespmem:s18+$0xFFFFFFE0]  }
0x38: {  	s15 =	sadd.s32 s15, s16  }
0x39: {  	s18 =	sadd.s32 $0x40, s18;
	[tilespmem:s15+$0x1830 ss:$0x81] =	vst.msk $0xffff, v3  }
.Ltmp4:
0x3a: {  	_ = 	snop;
	(pc) =	sbr.rel .LBB1_4-.Ltmp4, $1  }
0x3b: {  	_ =	sdelay $0x3  }
.LBB1_6:
0x3c: {  	_ =	sfence.sel $0x180000  }
0x3d: {  	s2 =	simm.s32 $0x1;
	[bflag:$0x0] =	sbarrier.arrive $0xFFFF  }
0x3e: {  	s31 =	simm.s32 $0x2;
	[sflag:s2] =	ssyncpa.u1 $0x1  }
0x3f: {  	[sflag:s31] =	ssyncpa.u1 $0x1  }
0x40: {  	p0 =	sne.s32 s0, $0x0;
	_ =	strace $0x9000004A  }
0x41: {  	s0 =	sadd.s32 @!p0 $0x100000, s1;
	[bflag:$0x2] =	sbarrier.arrive $0xFFFF  }
0x42: {  	[sflag:s0] =	ssyncadd.tile.s32 @!p0 $0x1;
	_ =	shalt  }
.Lfunc_end1:
_tile_overlayer_lowered:
.L_overlay_start_2:
0x43: {  	(tag) =	ssettag $0x2  }
0x44: {  	s0 =	rddreg [dreg:$0x0];
	s2 =	stileid.u32  }
0x45: {  	s1 =	rddreg [dreg:$0x1];
	p0 =	sne.s32 s2, $0x0  }
0x46: {  	s3 =	rddreg [dreg:$0x2];
	[bflag:$0x3] =	sbarrier.arrive $0xFFFF;
	s2 =	simm.s32 @!p0 $0x1C01  }
0x47: {  	[timem:s3], [sflag:s2] =	dma.local @!p0 [hbm:s0], s1  }
0x48: {  	s0 =	simm.s32 @!p0 $0x1  }
0x49: {  	_ =	swait.ge @!p0 [sflag:s0], s1  }
0x4a: {  	s1 =	ssub.s32 @!p0 $0x0, s1;
	[sflag:s0] =	ssyncset.done @!p0 $0x0  }
0x4b: {  	[sflag:s0] =	ssyncadd.s32 @!p0 s1  }
0x4c: {  	[bflag:$0x3] =	sbarrier.arrive $0xFFFF  }
0x4d: {  	_ =	shalt  }

</sc_bundles>
